<compile_context>
chip_gen: v7x
topology: tpu7x:2x2x1
jax: 0.10.2.dev20260603
libtpu: 0.0.44.dev20260713+nightly
codegen_flags: <defaults>
</compile_context>

<pallas_src>
import functools

import jax
import jax.numpy as jnp
from jax import lax
from jax.experimental import pallas as pl
from jax.experimental.pallas import tpu as pltpu
from jax.experimental.pallas import tpu_sc as plsc

D = 128
VPAD = 104
NC, NS = 2, 16
NW = NC * NS
CHUNK = 64
NBUF = 3


def _table_body(nuc_ref, elec_ref, we_ref, wf_ref, b_ref, out_ref):
    v = nuc_ref.shape[0]
    comb = nuc_ref[...] + jnp.dot(
        elec_ref[...], we_ref[...], preferred_element_type=jnp.float32
    )
    h = jnp.dot(comb, wf_ref[...], preferred_element_type=jnp.float32) + b_ref[...]
    t = h * jax.nn.sigmoid(h)
    out_ref[...] = jnp.concatenate(
        [t, jnp.zeros((VPAD - v, D), jnp.float32)], axis=0
    )


def _fused_table(nuclear_table, elec_features, W_elec, W_final, b_final):
    return pl.pallas_call(
        _table_body,
        out_shape=jax.ShapeDtypeStruct((VPAD, D), jnp.float32),
    )(nuclear_table, elec_features, W_elec, W_final, b_final.reshape(1, D))


def _make_gather(n):
    assert n % 8 == 0 and n >= CHUNK
    nchunks_total = -(-n // CHUNK)
    cpw = -(-nchunks_total // NW)
    stage = cpw * CHUNK
    mesh = plsc.VectorSubcoreMesh(core_axis_name="c", subcore_axis_name="s")

    @functools.partial(
        pl.kernel,
        mesh=mesh,
        out_type=jax.ShapeDtypeStruct((n, D), jnp.float32),
        scratch_types=[
            pltpu.VMEM((stage,), jnp.int32),
            pltpu.VMEM((NBUF, CHUNK, D), jnp.float32),
            pltpu.VMEM_SHARED((VPAD, D), jnp.float32),
        ]
        + [pltpu.SemaphoreType.DMA] * NBUF,
    )
    def gather_k(
        table_hbm, idx_hbm, out_hbm, idx_v, rows_v, table_spm,
        sem_a, sem_b, sem_c,
    ):
        sems = (sem_a, sem_b, sem_c)
        wid = lax.axis_index("s") * NC + lax.axis_index("c")

        @pl.when(lax.axis_index("s") == 0)
        def _():
            pltpu.async_copy(table_hbm, table_spm, sem_a)

        t0 = wid * cpw
        nch = jnp.clip(nchunks_total - t0, 0, cpw)
        stage_start = pl.multiple_of(jnp.minimum(t0 * CHUNK, n - stage), 8)
        pltpu.sync_copy(idx_hbm.at[pl.ds(stage_start, stage)], idx_v)

        @pl.when(lax.axis_index("s") == 0)
        def _():
            pltpu.make_async_copy(table_hbm, table_spm, sem_a).wait()

        plsc.subcore_barrier()

        def goff(c):
            return pl.multiple_of(jnp.minimum((t0 + c) * CHUNK, n - CHUNK), 8)

        def idx_slice(c):
            return idx_v.at[pl.ds(goff(c) - stage_start, CHUNK)]

        def start(c, slot, sem):
            pltpu.async_copy(table_spm.at[idx_slice(c)], rows_v.at[slot], sem)

        def finish(c, slot, sem):
            pltpu.make_async_copy(
                table_spm.at[idx_slice(c)], rows_v.at[slot], sem
            ).wait()
            pltpu.sync_copy(rows_v.at[slot], out_hbm.at[pl.ds(goff(c), CHUNK)])

        for b in range(NBUF):

            @pl.when(b < nch)
            def _(b=b):
                start(b, b, sems[b])

        def body(i, carry):
            for b in range(NBUF):
                c = i * NBUF + b

                if b == 0:
                    finish(c, 0, sems[0])
                else:

                    @pl.when(c < nch)
                    def _(b=b, c=c):
                        finish(c, b, sems[b])

                @pl.when(c + NBUF < nch)
                def _(b=b, c=c):
                    start(c + NBUF, b, sems[b])

            return carry

        lax.fori_loop(0, (nch + NBUF - 1) // NBUF, body, 0)

    return gather_k


def kernel(atom_types, elec_features, nuclear_table, W_elec, W_final, b_final):
    n = atom_types.shape[0]
    table = _fused_table(nuclear_table, elec_features, W_elec, W_final, b_final)
    return _make_gather(n)(table, atom_types.astype(jnp.int32))

# --- scband reference (transcript-rebuilt; emitter-appended) ---
"""Pipeline reference for scband-mask-generator-net-3667902071161 (READ-ONLY COPY).

The authoritative reference and input builder live on the scoring server;
editing this copy changes nothing except your own understanding.
"""

import jax, jax.numpy as jnp
import numpy as np

EMBED_DIM = 128
MAX_Z = 100
N_ATOMS = 100000

_ELEC_BASE = [
 [0,0,0,0,0,0,0,0,0,0,0,0,0,0,0,0],
 [0,1,0,0,0,0,0,0,0,0,0,0,0,0,0,0],
 [2,0,0,0,0,0,0,0,0,0,0,0,0,0,0,0],
 [2,0,0,1,0,0,0,0,0,0,0,0,0,0,0,0],
 [2,0,2,0,0,0,0,0,0,0,0,0,0,0,0,0],
 [2,0,2,0,0,1,0,0,0,0,0,0,0,0,0,0],
 [2,0,2,0,0,2,0,0,0,0,0,0,0,0,0,0],
 [2,0,2,0,0,3,0,0,0,0,0,0,0,0,0,0],
 [2,0,2,0,2,2,0,0,0,0,0,0,0,0,0,0],
 [2,0,2,0,4,1,0,0,0,0,0,0,0,0,0,0],
 [2,0,2,0,6,0,0,0,0,0,0,0,0,0,0,0],
 [2,0,2,0,6,0,0,1,0,0,0,0,0,0,0,0],
 [2,0,2,0,6,0,2,0,0,0,0,0,0,0,0,0],
 [2,0,2,0,6,0,2,0,0,1,0,0,0,0,0,0],
 [2,0,2,0,6,0,2,0,0,2,0,0,0,0,0,0],
 [2,0,2,0,6,0,2,0,0,3,0,0,0,0,0,0],
 [2,0,2,0,6,0,2,0,2,2,0,0,0,0,0,0],
 [2,0,2,0,6,0,2,0,4,1,0,0,0,0,0,0],
 [2,0,2,0,6,0,2,0,6,0,0,0,0,0,0,0],
 [2,0,2,0,6,0,2,0,6,0,0,1,0,0,0,0],
 [2,0,2,0,6,0,2,0,6,0,2,0,0,0,0,0],
 [2,0,2,0,6,0,2,0,6,0,2,0,0,1,0,0],
 [2,0,2,0,6,0,2,0,6,0,2,0,0,2,0,0],
 [2,0,2,0,6,0,2,0,6,0,2,0,0,3,0,0],
 [2,0,2,0,6,0,2,0,6,0,0,1,0,5,0,0],
 [2,0,2,0,6,0,2,0,6,0,2,0,0,5,0,0],
 [2,0,2,0,6,0,2,0,6,0,2,0,2,4,0,0],
 [2,0,2,0,6,0,2,0,6,0,2,0,4,3,0,0],
 [2,0,2,0,6,0,2,0,6,0,2,0,6,2,0,0],
 [2,0,2,0,6,0,2,0,6,0,0,1,10,0,0,0],
 [2,0,2,0,6,0,2,0,6,0,2,0,10,0,0,0],
 [2,0,2,0,6,0,2,0,6,0,2,0,10,0,0,1],
 [2,0,2,0,6,0,2,0,6,0,2,0,10,0,0,2],
 [2,0,2,0,6,0,2,0,6,0,2,0,10,0,0,3],
 [2,0,2,0,6,0,2,0,6,0,2,0,10,0,2,2],
 [2,0,2,0,6,0,2,0,6,0,2,0,10,0,4,1],
 [2,0,2,0,6,0,2,0,6,0,2,0,10,0,6,0],
]

def get_elec_feature(max_z):
    base = np.array(_ELEC_BASE, dtype=np.float32)
    full = np.zeros((max_z + 1, base.shape[1]), dtype=np.float32)
    full[:base.shape[0], :] = base
    m = full.max()
    if m > 0:
        full = full / m
    return jnp.asarray(full)


def setup_inputs(seed: int = 0) -> dict:
    key = jax.random.key(seed)
    k1, k2, k3, k4, k5 = jax.random.split(key, 5)
    atom_types = jax.random.randint(k1, (N_ATOMS,), 0, 100)
    elec_features = get_elec_feature(MAX_Z)  # [101, 16]
    elec_dim = elec_features.shape[1]
    nuclear_table = jax.random.normal(k2, (MAX_Z + 1, EMBED_DIM), dtype=jnp.float32)
    # xavier-uniform-like init for linear weights (stored as [in, out] for x @ W)
    lim_e = float(np.sqrt(6.0 / (elec_dim + EMBED_DIM)))
    W_elec = jax.random.uniform(k3, (elec_dim, EMBED_DIM), minval=-lim_e, maxval=lim_e, dtype=jnp.float32)
    lim_f = float(np.sqrt(6.0 / (EMBED_DIM + EMBED_DIM)))
    W_final = jax.random.uniform(k4, (EMBED_DIM, EMBED_DIM), minval=-lim_f, maxval=lim_f, dtype=jnp.float32)
    b_final = jnp.zeros((EMBED_DIM,), dtype=jnp.float32)
    return {
        "atom_types": atom_types,
        "elec_features": elec_features,
        "nuclear_table": nuclear_table,
        "W_elec": W_elec,
        "W_final": W_final,
        "b_final": b_final,
    }


def reference(atom_types, elec_features, nuclear_table, W_elec, W_final, b_final):
    # nuclear embedding lookup (gather)
    nuclear_feat = jnp.take(nuclear_table, atom_types, axis=0)  # [N, D]
    # electronic embedding: gather buffer rows then linear (no bias)
    elec_rows = jnp.take(elec_features, atom_types, axis=0)     # [N, 16]
    electronic_feat = elec_rows @ W_elec                         # [N, D]
    combined = nuclear_feat + electronic_feat
    h = combined @ W_final + b_final
    # SiLU activation
    out = h * jax.nn.sigmoid(h)
    return out

if __name__ == "__main__":
    import jax
    _d = setup_inputs()
    print(jax.jit(kernel)(*tuple(_d.values())))

</pallas_src>

<mosaic_0001>
#map = affine_map<(d0, d1) -> (0, 0)>
#map1 = affine_map<(d0, d1) -> (0)>
module attributes {stable_mosaic.version = 14 : i64} {
  func.func @gather_k(%arg0: i32, %arg1: i32, %arg2: memref<104x128xf32, #tpu.memory_space<hbm>>, %arg3: memref<100000xi32, #tpu.memory_space<hbm>>, %arg4: memref<100000x128xf32, #tpu.memory_space<hbm>>, %arg5: memref<3136xi32, #tpu.memory_space<vmem>>, %arg6: memref<3x64x128xf32, #tpu.memory_space<vmem>>, %arg7: memref<104x128xf32, #tpu.memory_space<vmem_shared>>, %arg8: memref<!tpu.dma_semaphore, #tpu.memory_space<semaphore_mem>>, %arg9: memref<!tpu.dma_semaphore, #tpu.memory_space<semaphore_mem>>, %arg10: memref<!tpu.dma_semaphore, #tpu.memory_space<semaphore_mem>>) attributes {dimension_semantics = [#tpu.dimension_semantics<core_parallel>, #tpu.dimension_semantics<subcore_parallel>], iteration_bounds = array<i64: 2, 16>, scalar_prefetch = 0 : i64, scratch_operands = 6 : i64, tpu.core_type = #tpu.core_type<sc_vector_subcore>, window_params = [{transform_indices = #map}, {transform_indices = #map1}, {transform_indices = #map}]} {
    %mul3A = arith.constant 2 : i32
    %mul3A_0 = arith.muli %arg1, %mul3A : i32
    %add3A = arith.addi %mul3A_0, %arg0 : i32
    %eq3A = arith.constant 0 : i32
    %eq3A_1 = arith.cmpi eq, %arg1, %eq3A : i32
    %convert_element_type3A = arith.extui %eq3A_1 : i1 to i32
    %cond3A = arith.constant 0 : i32
    %cond3A_2 = arith.cmpi ne, %convert_element_type3A, %cond3A : i32
    scf.if %cond3A_2 {
      tpu.enqueue_dma source(%arg2 : memref<104x128xf32, #tpu.memory_space<hbm>>) target(%arg7 : memref<104x128xf32, #tpu.memory_space<vmem_shared>>) target_semaphore(%arg8 : memref<!tpu.dma_semaphore, #tpu.memory_space<semaphore_mem>>)
    } else {
    }
    %mul3A_3 = arith.constant 49 : i32
    %mul3A_4 = arith.muli %add3A, %mul3A_3 : i32
    %sub3A = arith.constant 1563 : i32
    %sub3A_5 = arith.subi %sub3A, %mul3A_4 : i32
    %jit3A = arith.constant 0 : i32
    %jit3A_6 = arith.constant 49 : i32
    %max3A = arith.maxsi %jit3A, %sub3A_5 : i32
    %min3A = arith.minsi %jit3A_6, %max3A : i32
    %mul3A_7 = arith.constant 64 : i32
    %mul3A_8 = arith.muli %mul3A_4, %mul3A_7 : i32
    %min3A_9 = arith.constant 96864 : i32
    %min3A_10 = arith.minsi %mul3A_8, %min3A_9 : i32
    %multiple_of3A = tpu.assume_multiple %min3A_10, 8 : i32
    "tpu.region"() ({
      %run_scoped3A = tpu.sem_alloc : memref<!tpu.dma_semaphore, #tpu.memory_space<semaphore_mem>>
      %dma_start3A = tpu.memref_slice %arg3[%multiple_of3A] : memref<100000xi32, #tpu.memory_space<hbm>> -> memref<3136xi32, #tpu.memory_space<hbm>>
      %dma_start3A_61 = tpu.memref_slice %arg3[%multiple_of3A] : memref<100000xi32, #tpu.memory_space<hbm>> -> memref<3136xi32, #tpu.memory_space<hbm>>
      tpu.enqueue_dma source(%dma_start3A_61 : memref<3136xi32, #tpu.memory_space<hbm>>) target(%arg5 : memref<3136xi32, #tpu.memory_space<vmem>>) target_semaphore(%run_scoped3A : memref<!tpu.dma_semaphore, #tpu.memory_space<semaphore_mem>>)
      %dma_wait3A = tpu.memref_slice %arg3[%multiple_of3A] : memref<100000xi32, #tpu.memory_space<hbm>> -> memref<3136xi32, #tpu.memory_space<hbm>>
      %dma_wait3A_62 = tpu.memref_slice %arg3[%multiple_of3A] : memref<100000xi32, #tpu.memory_space<hbm>> -> memref<3136xi32, #tpu.memory_space<hbm>>
      tpu.wait_dma2 semaphore(%run_scoped3A : memref<!tpu.dma_semaphore, #tpu.memory_space<semaphore_mem>>) src(%dma_wait3A_62 : memref<3136xi32, #tpu.memory_space<hbm>>) dst(%arg5 : memref<3136xi32, #tpu.memory_space<vmem>>)
      tpu.yield
    }) : () -> ()
    %eq3A_11 = arith.constant 0 : i32
    %eq3A_12 = arith.cmpi eq, %arg1, %eq3A_11 : i32
    %convert_element_type3A_13 = arith.extui %eq3A_12 : i1 to i32
    %cond3A_14 = arith.constant 0 : i32
    %cond3A_15 = arith.cmpi ne, %convert_element_type3A_13, %cond3A_14 : i32
    scf.if %cond3A_15 {
      tpu.wait_dma2 semaphore(%arg8 : memref<!tpu.dma_semaphore, #tpu.memory_space<semaphore_mem>>) src(%arg2 : memref<104x128xf32, #tpu.memory_space<hbm>>) dst(%arg7 : memref<104x128xf32, #tpu.memory_space<vmem_shared>>)
    } else {
    }
    %barrier3A = arith.constant 0 : index
    tpu.barrier barrier_id(%barrier3A)
    %gt3A = arith.constant 0 : i32
    %gt3A_16 = arith.cmpi sgt, %min3A, %gt3A : i32
    %convert_element_type3A_17 = arith.extui %gt3A_16 : i1 to i32
    %cond3A_18 = arith.constant 0 : i32
    %cond3A_19 = arith.cmpi ne, %convert_element_type3A_17, %cond3A_18 : i32
    scf.if %cond3A_19 {
      %add3A_61 = arith.constant 0 : i32
      %add3A_62 = arith.addi %mul3A_4, %add3A_61 : i32
      %mul3A_63 = arith.constant 64 : i32
      %mul3A_64 = arith.muli %add3A_62, %mul3A_63 : i32
      %min3A_65 = arith.constant 99936 : i32
      %min3A_66 = arith.minsi %mul3A_64, %min3A_65 : i32
      %multiple_of3A_67 = tpu.assume_multiple %min3A_66, 8 : i32
      %sub3A_68 = arith.subi %multiple_of3A_67, %multiple_of3A : i32
      %dma_start3A = arith.constant 0 : i32
      %dma_start3A_69 = arith.constant 0 : i32
      %dma_start3A_70 = arith.constant 0 : i32
      %dma_start3A_71 = tpu.memref_slice %arg6[%dma_start3A, %dma_start3A_69, %dma_start3A_70] : memref<3x64x128xf32, #tpu.memory_space<vmem>> -> memref<1x64x128xf32, #tpu.memory_space<vmem>>
      %dma_start3A_72 = tpu.memref_squeeze %dma_start3A_71 : memref<1x64x128xf32, #tpu.memory_space<vmem>> -> memref<64x128xf32, #tpu.memory_space<vmem>>
      %dma_start3A_73 = tpu.memref_slice %arg5[%sub3A_68] : memref<3136xi32, #tpu.memory_space<vmem>> -> memref<64xi32, #tpu.memory_space<vmem>>
      %dma_start3A_74 = arith.constant 0 : i32
      %dma_start3A_75 = arith.constant 0 : i32
      %dma_start3A_76 = tpu.memref_slice %arg7[%dma_start3A_74, %dma_start3A_75] : memref<104x128xf32, #tpu.memory_space<vmem_shared>> -> memref<104x128xf32, #tpu.memory_space<vmem_shared>>
      tpu.enqueue_indirect_dma source(%dma_start3A_76 : memref<104x128xf32, #tpu.memory_space<vmem_shared>>) target(%dma_start3A_72 : memref<64x128xf32, #tpu.memory_space<vmem>>) offsets(%dma_start3A_73 : memref<64xi32, #tpu.memory_space<vmem>>) semaphore(%arg8 : memref<!tpu.dma_semaphore, #tpu.memory_space<semaphore_mem>>)
    } else {
    }
    %gt3A_20 = arith.constant 1 : i32
    %gt3A_21 = arith.cmpi sgt, %min3A, %gt3A_20 : i32
    %convert_element_type3A_22 = arith.extui %gt3A_21 : i1 to i32
    %cond3A_23 = arith.constant 0 : i32
    %cond3A_24 = arith.cmpi ne, %convert_element_type3A_22, %cond3A_23 : i32
    scf.if %cond3A_24 {
      %add3A_61 = arith.constant 1 : i32
      %add3A_62 = arith.addi %mul3A_4, %add3A_61 : i32
      %mul3A_63 = arith.constant 64 : i32
      %mul3A_64 = arith.muli %add3A_62, %mul3A_63 : i32
      %min3A_65 = arith.constant 99936 : i32
      %min3A_66 = arith.minsi %mul3A_64, %min3A_65 : i32
      %multiple_of3A_67 = tpu.assume_multiple %min3A_66, 8 : i32
      %sub3A_68 = arith.subi %multiple_of3A_67, %multiple_of3A : i32
      %dma_start3A = arith.constant 1 : i32
      %dma_start3A_69 = arith.constant 0 : i32
      %dma_start3A_70 = arith.constant 0 : i32
      %dma_start3A_71 = tpu.memref_slice %arg6[%dma_start3A, %dma_start3A_69, %dma_start3A_70] : memref<3x64x128xf32, #tpu.memory_space<vmem>> -> memref<1x64x128xf32, #tpu.memory_space<vmem>>
      %dma_start3A_72 = tpu.memref_squeeze %dma_start3A_71 : memref<1x64x128xf32, #tpu.memory_space<vmem>> -> memref<64x128xf32, #tpu.memory_space<vmem>>
      %dma_start3A_73 = tpu.memref_slice %arg5[%sub3A_68] : memref<3136xi32, #tpu.memory_space<vmem>> -> memref<64xi32, #tpu.memory_space<vmem>>
      %dma_start3A_74 = arith.constant 0 : i32
      %dma_start3A_75 = arith.constant 0 : i32
      %dma_start3A_76 = tpu.memref_slice %arg7[%dma_start3A_74, %dma_start3A_75] : memref<104x128xf32, #tpu.memory_space<vmem_shared>> -> memref<104x128xf32, #tpu.memory_space<vmem_shared>>
      tpu.enqueue_indirect_dma source(%dma_start3A_76 : memref<104x128xf32, #tpu.memory_space<vmem_shared>>) target(%dma_start3A_72 : memref<64x128xf32, #tpu.memory_space<vmem>>) offsets(%dma_start3A_73 : memref<64xi32, #tpu.memory_space<vmem>>) semaphore(%arg9 : memref<!tpu.dma_semaphore, #tpu.memory_space<semaphore_mem>>)
    } else {
    }
    %gt3A_25 = arith.constant 2 : i32
    %gt3A_26 = arith.cmpi sgt, %min3A, %gt3A_25 : i32
    %convert_element_type3A_27 = arith.extui %gt3A_26 : i1 to i32
    %cond3A_28 = arith.constant 0 : i32
    %cond3A_29 = arith.cmpi ne, %convert_element_type3A_27, %cond3A_28 : i32
    scf.if %cond3A_29 {
      %add3A_61 = arith.constant 2 : i32
      %add3A_62 = arith.addi %mul3A_4, %add3A_61 : i32
      %mul3A_63 = arith.constant 64 : i32
      %mul3A_64 = arith.muli %add3A_62, %mul3A_63 : i32
      %min3A_65 = arith.constant 99936 : i32
      %min3A_66 = arith.minsi %mul3A_64, %min3A_65 : i32
      %multiple_of3A_67 = tpu.assume_multiple %min3A_66, 8 : i32
      %sub3A_68 = arith.subi %multiple_of3A_67, %multiple_of3A : i32
      %dma_start3A = arith.constant 2 : i32
      %dma_start3A_69 = arith.constant 0 : i32
      %dma_start3A_70 = arith.constant 0 : i32
      %dma_start3A_71 = tpu.memref_slice %arg6[%dma_start3A, %dma_start3A_69, %dma_start3A_70] : memref<3x64x128xf32, #tpu.memory_space<vmem>> -> memref<1x64x128xf32, #tpu.memory_space<vmem>>
      %dma_start3A_72 = tpu.memref_squeeze %dma_start3A_71 : memref<1x64x128xf32, #tpu.memory_space<vmem>> -> memref<64x128xf32, #tpu.memory_space<vmem>>
      %dma_start3A_73 = tpu.memref_slice %arg5[%sub3A_68] : memref<3136xi32, #tpu.memory_space<vmem>> -> memref<64xi32, #tpu.memory_space<vmem>>
      %dma_start3A_74 = arith.constant 0 : i32
      %dma_start3A_75 = arith.constant 0 : i32
      %dma_start3A_76 = tpu.memref_slice %arg7[%dma_start3A_74, %dma_start3A_75] : memref<104x128xf32, #tpu.memory_space<vmem_shared>> -> memref<104x128xf32, #tpu.memory_space<vmem_shared>>
      tpu.enqueue_indirect_dma source(%dma_start3A_76 : memref<104x128xf32, #tpu.memory_space<vmem_shared>>) target(%dma_start3A_72 : memref<64x128xf32, #tpu.memory_space<vmem>>) offsets(%dma_start3A_73 : memref<64xi32, #tpu.memory_space<vmem>>) semaphore(%arg10 : memref<!tpu.dma_semaphore, #tpu.memory_space<semaphore_mem>>)
    } else {
    }
    %add3A_30 = arith.constant 3 : i32
    %add3A_31 = arith.addi %min3A, %add3A_30 : i32
    %sub3A_32 = arith.constant 1 : i32
    %sub3A_33 = arith.subi %add3A_31, %sub3A_32 : i32
    %jit3A_34 = arith.constant 3 : i32
    %div3A = arith.divsi %sub3A_33, %jit3A_34 : i32
    %sign3A = arith.constant 0 : i32
    %sign3A_35 = arith.cmpi sgt, %sub3A_33, %sign3A : i32
    %sign3A_36 = arith.extui %sign3A_35 : i1 to i32
    %sign3A_37 = arith.constant 0 : i32
    %sign3A_38 = arith.cmpi slt, %sub3A_33, %sign3A_37 : i32
    %sign3A_39 = arith.extui %sign3A_38 : i1 to i32
    %sign3A_40 = arith.subi %sign3A_36, %sign3A_39 : i32
    %sign3A_41 = arith.constant 0 : i32
    %sign3A_42 = arith.cmpi sgt, %jit3A_34, %sign3A_41 : i32
    %sign3A_43 = arith.extui %sign3A_42 : i1 to i32
    %sign3A_44 = arith.constant 0 : i32
    %sign3A_45 = arith.cmpi slt, %jit3A_34, %sign3A_44 : i32
    %sign3A_46 = arith.extui %sign3A_45 : i1 to i32
    %sign3A_47 = arith.subi %sign3A_43, %sign3A_46 : i32
    %ne3A = arith.cmpi ne, %sign3A_40, %sign3A_47 : i32
    %rem3A = arith.remsi %sub3A_33, %jit3A_34 : i32
    %ne3A_48 = arith.constant 0 : i32
    %ne3A_49 = arith.cmpi ne, %rem3A, %ne3A_48 : i32
    %and3A = arith.andi %ne3A, %ne3A_49 : i1
    %sub3A_50 = arith.constant 1 : i32
    %sub3A_51 = arith.subi %div3A, %sub3A_50 : i32
    %select_n3A = arith.select %and3A, %sub3A_51, %div3A : i32
    %while3A = arith.constant 0 : i32
    %while3A_52 = arith.constant 0 : i32
    %while3A_53 = arith.subi %select_n3A, %while3A_52 : i32
    %while3A_54 = arith.addi %while3A_52, %while3A_53 : i32
    %while3A_55 = arith.constant 1 : i32
    %while3A_56 = arith.divsi %while3A_53, %while3A_55 : i32
    %while3A_57 = arith.muli %while3A_56, %while3A_55 : i32
    %while3A_58 = arith.addi %while3A_52, %while3A_57 : i32
    %while3A_59 = arith.constant 1 : i32
    scf.for %while3A_61 = %while3A_52 to %while3A_58 step %while3A_59  : i32 {
      %mul3A_62 = arith.constant 3 : i32
      %mul3A_63 = arith.muli %while3A_61, %mul3A_62 : i32
      %add3A_64 = arith.constant 0 : i32
      %add3A_65 = arith.addi %mul3A_63, %add3A_64 : i32
      %add3A_66 = arith.addi %mul3A_4, %add3A_65 : i32
      %mul3A_67 = arith.constant 64 : i32
      %mul3A_68 = arith.muli %add3A_66, %mul3A_67 : i32
      %min3A_69 = arith.constant 99936 : i32
      %min3A_70 = arith.minsi %mul3A_68, %min3A_69 : i32
      %multiple_of3A_71 = tpu.assume_multiple %min3A_70, 8 : i32
      %sub3A_72 = arith.subi %multiple_of3A_71, %multiple_of3A : i32
      %dma_wait3A = arith.constant 0 : i32
      %dma_wait3A_73 = arith.constant 0 : i32
      %dma_wait3A_74 = arith.constant 0 : i32
      %dma_wait3A_75 = tpu.memref_slice %arg6[%dma_wait3A, %dma_wait3A_73, %dma_wait3A_74] : memref<3x64x128xf32, #tpu.memory_space<vmem>> -> memref<1x64x128xf32, #tpu.memory_space<vmem>>
      %dma_wait3A_76 = tpu.memref_squeeze %dma_wait3A_75 : memref<1x64x128xf32, #tpu.memory_space<vmem>> -> memref<64x128xf32, #tpu.memory_space<vmem>>
      %dma_wait3A_77 = tpu.memref_slice %arg5[%sub3A_72] : memref<3136xi32, #tpu.memory_space<vmem>> -> memref<64xi32, #tpu.memory_space<vmem>>
      %dma_wait3A_78 = arith.constant 0 : i32
      %dma_wait3A_79 = arith.constant 0 : i32
      %dma_wait3A_80 = tpu.memref_slice %arg7[%dma_wait3A_78, %dma_wait3A_79] : memref<104x128xf32, #tpu.memory_space<vmem_shared>> -> memref<104x128xf32, #tpu.memory_space<vmem_shared>>
      tpu.wait_indirect_dma semaphore(%arg8 : memref<!tpu.dma_semaphore, #tpu.memory_space<semaphore_mem>>) src(%dma_wait3A_80 : memref<104x128xf32, #tpu.memory_space<vmem_shared>>) dst(%dma_wait3A_76 : memref<64x128xf32, #tpu.memory_space<vmem>>)
      %add3A_81 = arith.addi %mul3A_4, %add3A_65 : i32
      %mul3A_82 = arith.constant 64 : i32
      %mul3A_83 = arith.muli %add3A_81, %mul3A_82 : i32
      %min3A_84 = arith.constant 99936 : i32
      %min3A_85 = arith.minsi %mul3A_83, %min3A_84 : i32
      %multiple_of3A_86 = tpu.assume_multiple %min3A_85, 8 : i32
      %run_scoped3A = arith.constant 0 : i32
      "tpu.region"() ({
        %run_scoped3A_120 = tpu.sem_alloc : memref<!tpu.dma_semaphore, #tpu.memory_space<semaphore_mem>>
        %dma_start3A = arith.constant 0 : i32
        %dma_start3A_121 = arith.constant 0 : i32
        %dma_start3A_122 = tpu.memref_slice %arg6[%run_scoped3A, %dma_start3A, %dma_start3A_121] : memref<3x64x128xf32, #tpu.memory_space<vmem>> -> memref<1x64x128xf32, #tpu.memory_space<vmem>>
        %dma_start3A_123 = tpu.memref_squeeze %dma_start3A_122 : memref<1x64x128xf32, #tpu.memory_space<vmem>> -> memref<64x128xf32, #tpu.memory_space<vmem>>
        %dma_start3A_124 = arith.constant 0 : i32
        %dma_start3A_125 = tpu.memref_slice %arg4[%multiple_of3A_86, %dma_start3A_124] : memref<100000x128xf32, #tpu.memory_space<hbm>> -> memref<64x128xf32, #tpu.memory_space<hbm>>
        %dma_start3A_126 = arith.constant 0 : i32
        %dma_start3A_127 = tpu.memref_slice %arg4[%multiple_of3A_86, %dma_start3A_126] : memref<100000x128xf32, #tpu.memory_space<hbm>> -> memref<64x128xf32, #tpu.memory_space<hbm>>
        %dma_start3A_128 = arith.constant 0 : i32
        %dma_start3A_129 = arith.constant 0 : i32
        %dma_start3A_130 = tpu.memref_slice %arg6[%run_scoped3A, %dma_start3A_128, %dma_start3A_129] : memref<3x64x128xf32, #tpu.memory_space<vmem>> -> memref<1x64x128xf32, #tpu.memory_space<vmem>>
        %dma_start3A_131 = tpu.memref_squeeze %dma_start3A_130 : memref<1x64x128xf32, #tpu.memory_space<vmem>> -> memref<64x128xf32, #tpu.memory_space<vmem>>
        tpu.enqueue_dma source(%dma_start3A_131 : memref<64x128xf32, #tpu.memory_space<vmem>>) target(%dma_start3A_127 : memref<64x128xf32, #tpu.memory_space<hbm>>) target_semaphore(%run_scoped3A_120 : memref<!tpu.dma_semaphore, #tpu.memory_space<semaphore_mem>>)
        %dma_wait3A_132 = arith.constant 0 : i32
        %dma_wait3A_133 = arith.constant 0 : i32
        %dma_wait3A_134 = tpu.memref_slice %arg6[%run_scoped3A, %dma_wait3A_132, %dma_wait3A_133] : memref<3x64x128xf32, #tpu.memory_space<vmem>> -> memref<1x64x128xf32, #tpu.memory_space<vmem>>
        %dma_wait3A_135 = tpu.memref_squeeze %dma_wait3A_134 : memref<1x64x128xf32, #tpu.memory_space<vmem>> -> memref<64x128xf32, #tpu.memory_space<vmem>>
        %dma_wait3A_136 = arith.constant 0 : i32
        %dma_wait3A_137 = tpu.memref_slice %arg4[%multiple_of3A_86, %dma_wait3A_136] : memref<100000x128xf32, #tpu.memory_space<hbm>> -> memref<64x128xf32, #tpu.memory_space<hbm>>
        %dma_wait3A_138 = arith.constant 0 : i32
        %dma_wait3A_139 = tpu.memref_slice %arg4[%multiple_of3A_86, %dma_wait3A_138] : memref<100000x128xf32, #tpu.memory_space<hbm>> -> memref<64x128xf32, #tpu.memory_space<hbm>>
        %dma_wait3A_140 = arith.constant 0 : i32
        %dma_wait3A_141 = arith.constant 0 : i32
        %dma_wait3A_142 = tpu.memref_slice %arg6[%run_scoped3A, %dma_wait3A_140, %dma_wait3A_141] : memref<3x64x128xf32, #tpu.memory_space<vmem>> -> memref<1x64x128xf32, #tpu.memory_space<vmem>>
        %dma_wait3A_143 = tpu.memref_squeeze %dma_wait3A_142 : memref<1x64x128xf32, #tpu.memory_space<vmem>> -> memref<64x128xf32, #tpu.memory_space<vmem>>
        tpu.wait_dma2 semaphore(%run_scoped3A_120 : memref<!tpu.dma_semaphore, #tpu.memory_space<semaphore_mem>>) src(%dma_wait3A_143 : memref<64x128xf32, #tpu.memory_space<vmem>>) dst(%dma_wait3A_139 : memref<64x128xf32, #tpu.memory_space<hbm>>)
        tpu.yield
      }) : () -> ()
      %add3A_87 = arith.constant 3 : i32
      %add3A_88 = arith.addi %add3A_65, %add3A_87 : i32
      %lt3A = arith.cmpi slt, %add3A_88, %min3A : i32
      %convert_element_type3A_89 = arith.extui %lt3A : i1 to i32
      %cond3A_90 = arith.constant 0 : i32
      %cond3A_91 = arith.cmpi ne, %convert_element_type3A_89, %cond3A_90 : i32
      scf.if %cond3A_91 {
        %add3A_120 = arith.constant 3 : i32
        %add3A_121 = arith.addi %add3A_65, %add3A_120 : i32
        %add3A_122 = arith.addi %mul3A_4, %add3A_121 : i32
        %mul3A_123 = arith.constant 64 : i32
        %mul3A_124 = arith.muli %add3A_122, %mul3A_123 : i32
        %min3A_125 = arith.constant 99936 : i32
        %min3A_126 = arith.minsi %mul3A_124, %min3A_125 : i32
        %multiple_of3A_127 = tpu.assume_multiple %min3A_126, 8 : i32
        %sub3A_128 = arith.subi %multiple_of3A_127, %multiple_of3A : i32
        %dma_start3A = arith.constant 0 : i32
        %dma_start3A_129 = arith.constant 0 : i32
        %dma_start3A_130 = arith.constant 0 : i32
        %dma_start3A_131 = tpu.memref_slice %arg6[%dma_start3A, %dma_start3A_129, %dma_start3A_130] : memref<3x64x128xf32, #tpu.memory_space<vmem>> -> memref<1x64x128xf32, #tpu.memory_space<vmem>>
        %dma_start3A_132 = tpu.memref_squeeze %dma_start3A_131 : memref<1x64x128xf32, #tpu.memory_space<vmem>> -> memref<64x128xf32, #tpu.memory_space<vmem>>
        %dma_start3A_133 = tpu.memref_slice %arg5[%sub3A_128] : memref<3136xi32, #tpu.memory_space<vmem>> -> memref<64xi32, #tpu.memory_space<vmem>>
        %dma_start3A_134 = arith.constant 0 : i32
        %dma_start3A_135 = arith.constant 0 : i32
        %dma_start3A_136 = tpu.memref_slice %arg7[%dma_start3A_134, %dma_start3A_135] : memref<104x128xf32, #tpu.memory_space<vmem_shared>> -> memref<104x128xf32, #tpu.memory_space<vmem_shared>>
        tpu.enqueue_indirect_dma source(%dma_start3A_136 : memref<104x128xf32, #tpu.memory_space<vmem_shared>>) target(%dma_start3A_132 : memref<64x128xf32, #tpu.memory_space<vmem>>) offsets(%dma_start3A_133 : memref<64xi32, #tpu.memory_space<vmem>>) semaphore(%arg8 : memref<!tpu.dma_semaphore, #tpu.memory_space<semaphore_mem>>)
      } else {
      }
      %mul3A_92 = arith.constant 3 : i32
      %mul3A_93 = arith.muli %while3A_61, %mul3A_92 : i32
      %add3A_94 = arith.constant 1 : i32
      %add3A_95 = arith.addi %mul3A_93, %add3A_94 : i32
      %lt3A_96 = arith.cmpi slt, %add3A_95, %min3A : i32
      %convert_element_type3A_97 = arith.extui %lt3A_96 : i1 to i32
      %cond3A_98 = arith.constant 0 : i32
      %cond3A_99 = arith.cmpi ne, %convert_element_type3A_97, %cond3A_98 : i32
      scf.if %cond3A_99 {
        %add3A_120 = arith.addi %mul3A_4, %add3A_95 : i32
        %mul3A_121 = arith.constant 64 : i32
        %mul3A_122 = arith.muli %add3A_120, %mul3A_121 : i32
        %min3A_123 = arith.constant 99936 : i32
        %min3A_124 = arith.minsi %mul3A_122, %min3A_123 : i32
        %multiple_of3A_125 = tpu.assume_multiple %min3A_124, 8 : i32
        %sub3A_126 = arith.subi %multiple_of3A_125, %multiple_of3A : i32
        %dma_wait3A_127 = arith.constant 1 : i32
        %dma_wait3A_128 = arith.constant 0 : i32
        %dma_wait3A_129 = arith.constant 0 : i32
        %dma_wait3A_130 = tpu.memref_slice %arg6[%dma_wait3A_127, %dma_wait3A_128, %dma_wait3A_129] : memref<3x64x128xf32, #tpu.memory_space<vmem>> -> memref<1x64x128xf32, #tpu.memory_space<vmem>>
        %dma_wait3A_131 = tpu.memref_squeeze %dma_wait3A_130 : memref<1x64x128xf32, #tpu.memory_space<vmem>> -> memref<64x128xf32, #tpu.memory_space<vmem>>
        %dma_wait3A_132 = tpu.memref_slice %arg5[%sub3A_126] : memref<3136xi32, #tpu.memory_space<vmem>> -> memref<64xi32, #tpu.memory_space<vmem>>
        %dma_wait3A_133 = arith.constant 0 : i32
        %dma_wait3A_134 = arith.constant 0 : i32
        %dma_wait3A_135 = tpu.memref_slice %arg7[%dma_wait3A_133, %dma_wait3A_134] : memref<104x128xf32, #tpu.memory_space<vmem_shared>> -> memref<104x128xf32, #tpu.memory_space<vmem_shared>>
        tpu.wait_indirect_dma semaphore(%arg9 : memref<!tpu.dma_semaphore, #tpu.memory_space<semaphore_mem>>) src(%dma_wait3A_135 : memref<104x128xf32, #tpu.memory_space<vmem_shared>>) dst(%dma_wait3A_131 : memref<64x128xf32, #tpu.memory_space<vmem>>)
        %add3A_136 = arith.addi %mul3A_4, %add3A_95 : i32
        %mul3A_137 = arith.constant 64 : i32
        %mul3A_138 = arith.muli %add3A_136, %mul3A_137 : i32
        %min3A_139 = arith.constant 99936 : i32
        %min3A_140 = arith.minsi %mul3A_138, %min3A_139 : i32
        %multiple_of3A_141 = tpu.assume_multiple %min3A_140, 8 : i32
        %run_scoped3A_142 = arith.constant 1 : i32
        "tpu.region"() ({
          %run_scoped3A_143 = tpu.sem_alloc : memref<!tpu.dma_semaphore, #tpu.memory_space<semaphore_mem>>
          %dma_start3A = arith.constant 0 : i32
          %dma_start3A_144 = arith.constant 0 : i32
          %dma_start3A_145 = tpu.memref_slice %arg6[%run_scoped3A_142, %dma_start3A, %dma_start3A_144] : memref<3x64x128xf32, #tpu.memory_space<vmem>> -> memref<1x64x128xf32, #tpu.memory_space<vmem>>
          %dma_start3A_146 = tpu.memref_squeeze %dma_start3A_145 : memref<1x64x128xf32, #tpu.memory_space<vmem>> -> memref<64x128xf32, #tpu.memory_space<vmem>>
          %dma_start3A_147 = arith.constant 0 : i32
          %dma_start3A_148 = tpu.memref_slice %arg4[%multiple_of3A_141, %dma_start3A_147] : memref<100000x128xf32, #tpu.memory_space<hbm>> -> memref<64x128xf32, #tpu.memory_space<hbm>>
          %dma_start3A_149 = arith.constant 0 : i32
          %dma_start3A_150 = tpu.memref_slice %arg4[%multiple_of3A_141, %dma_start3A_149] : memref<100000x128xf32, #tpu.memory_space<hbm>> -> memref<64x128xf32, #tpu.memory_space<hbm>>
          %dma_start3A_151 = arith.constant 0 : i32
          %dma_start3A_152 = arith.constant 0 : i32
          %dma_start3A_153 = tpu.memref_slice %arg6[%run_scoped3A_142, %dma_start3A_151, %dma_start3A_152] : memref<3x64x128xf32, #tpu.memory_space<vmem>> -> memref<1x64x128xf32, #tpu.memory_space<vmem>>
          %dma_start3A_154 = tpu.memref_squeeze %dma_start3A_153 : memref<1x64x128xf32, #tpu.memory_space<vmem>> -> memref<64x128xf32, #tpu.memory_space<vmem>>
          tpu.enqueue_dma source(%dma_start3A_154 : memref<64x128xf32, #tpu.memory_space<vmem>>) target(%dma_start3A_150 : memref<64x128xf32, #tpu.memory_space<hbm>>) target_semaphore(%run_scoped3A_143 : memref<!tpu.dma_semaphore, #tpu.memory_space<semaphore_mem>>)
          %dma_wait3A_155 = arith.constant 0 : i32
          %dma_wait3A_156 = arith.constant 0 : i32
          %dma_wait3A_157 = tpu.memref_slice %arg6[%run_scoped3A_142, %dma_wait3A_155, %dma_wait3A_156] : memref<3x64x128xf32, #tpu.memory_space<vmem>> -> memref<1x64x128xf32, #tpu.memory_space<vmem>>
          %dma_wait3A_158 = tpu.memref_squeeze %dma_wait3A_157 : memref<1x64x128xf32, #tpu.memory_space<vmem>> -> memref<64x128xf32, #tpu.memory_space<vmem>>
          %dma_wait3A_159 = arith.constant 0 : i32
          %dma_wait3A_160 = tpu.memref_slice %arg4[%multiple_of3A_141, %dma_wait3A_159] : memref<100000x128xf32, #tpu.memory_space<hbm>> -> memref<64x128xf32, #tpu.memory_space<hbm>>
          %dma_wait3A_161 = arith.constant 0 : i32
          %dma_wait3A_162 = tpu.memref_slice %arg4[%multiple_of3A_141, %dma_wait3A_161] : memref<100000x128xf32, #tpu.memory_space<hbm>> -> memref<64x128xf32, #tpu.memory_space<hbm>>
          %dma_wait3A_163 = arith.constant 0 : i32
          %dma_wait3A_164 = arith.constant 0 : i32
          %dma_wait3A_165 = tpu.memref_slice %arg6[%run_scoped3A_142, %dma_wait3A_163, %dma_wait3A_164] : memref<3x64x128xf32, #tpu.memory_space<vmem>> -> memref<1x64x128xf32, #tpu.memory_space<vmem>>
          %dma_wait3A_166 = tpu.memref_squeeze %dma_wait3A_165 : memref<1x64x128xf32, #tpu.memory_space<vmem>> -> memref<64x128xf32, #tpu.memory_space<vmem>>
          tpu.wait_dma2 semaphore(%run_scoped3A_143 : memref<!tpu.dma_semaphore, #tpu.memory_space<semaphore_mem>>) src(%dma_wait3A_166 : memref<64x128xf32, #tpu.memory_space<vmem>>) dst(%dma_wait3A_162 : memref<64x128xf32, #tpu.memory_space<hbm>>)
          tpu.yield
        }) : () -> ()
      } else {
      }
      %add3A_100 = arith.constant 3 : i32
      %add3A_101 = arith.addi %add3A_95, %add3A_100 : i32
      %lt3A_102 = arith.cmpi slt, %add3A_101, %min3A : i32
      %convert_element_type3A_103 = arith.extui %lt3A_102 : i1 to i32
      %cond3A_104 = arith.constant 0 : i32
      %cond3A_105 = arith.cmpi ne, %convert_element_type3A_103, %cond3A_104 : i32
      scf.if %cond3A_105 {
        %add3A_120 = arith.constant 3 : i32
        %add3A_121 = arith.addi %add3A_95, %add3A_120 : i32
        %add3A_122 = arith.addi %mul3A_4, %add3A_121 : i32
        %mul3A_123 = arith.constant 64 : i32
        %mul3A_124 = arith.muli %add3A_122, %mul3A_123 : i32
        %min3A_125 = arith.constant 99936 : i32
        %min3A_126 = arith.minsi %mul3A_124, %min3A_125 : i32
        %multiple_of3A_127 = tpu.assume_multiple %min3A_126, 8 : i32
        %sub3A_128 = arith.subi %multiple_of3A_127, %multiple_of3A : i32
        %dma_start3A = arith.constant 1 : i32
        %dma_start3A_129 = arith.constant 0 : i32
        %dma_start3A_130 = arith.constant 0 : i32
        %dma_start3A_131 = tpu.memref_slice %arg6[%dma_start3A, %dma_start3A_129, %dma_start3A_130] : memref<3x64x128xf32, #tpu.memory_space<vmem>> -> memref<1x64x128xf32, #tpu.memory_space<vmem>>
        %dma_start3A_132 = tpu.memref_squeeze %dma_start3A_131 : memref<1x64x128xf32, #tpu.memory_space<vmem>> -> memref<64x128xf32, #tpu.memory_space<vmem>>
        %dma_start3A_133 = tpu.memref_slice %arg5[%sub3A_128] : memref<3136xi32, #tpu.memory_space<vmem>> -> memref<64xi32, #tpu.memory_space<vmem>>
        %dma_start3A_134 = arith.constant 0 : i32
        %dma_start3A_135 = arith.constant 0 : i32
        %dma_start3A_136 = tpu.memref_slice %arg7[%dma_start3A_134, %dma_start3A_135] : memref<104x128xf32, #tpu.memory_space<vmem_shared>> -> memref<104x128xf32, #tpu.memory_space<vmem_shared>>
        tpu.enqueue_indirect_dma source(%dma_start3A_136 : memref<104x128xf32, #tpu.memory_space<vmem_shared>>) target(%dma_start3A_132 : memref<64x128xf32, #tpu.memory_space<vmem>>) offsets(%dma_start3A_133 : memref<64xi32, #tpu.memory_space<vmem>>) semaphore(%arg9 : memref<!tpu.dma_semaphore, #tpu.memory_space<semaphore_mem>>)
      } else {
      }
      %mul3A_106 = arith.constant 3 : i32
      %mul3A_107 = arith.muli %while3A_61, %mul3A_106 : i32
      %add3A_108 = arith.constant 2 : i32
      %add3A_109 = arith.addi %mul3A_107, %add3A_108 : i32
      %lt3A_110 = arith.cmpi slt, %add3A_109, %min3A : i32
      %convert_element_type3A_111 = arith.extui %lt3A_110 : i1 to i32
      %cond3A_112 = arith.constant 0 : i32
      %cond3A_113 = arith.cmpi ne, %convert_element_type3A_111, %cond3A_112 : i32
      scf.if %cond3A_113 {
        %add3A_120 = arith.addi %mul3A_4, %add3A_109 : i32
        %mul3A_121 = arith.constant 64 : i32
        %mul3A_122 = arith.muli %add3A_120, %mul3A_121 : i32
        %min3A_123 = arith.constant 99936 : i32
        %min3A_124 = arith.minsi %mul3A_122, %min3A_123 : i32
        %multiple_of3A_125 = tpu.assume_multiple %min3A_124, 8 : i32
        %sub3A_126 = arith.subi %multiple_of3A_125, %multiple_of3A : i32
        %dma_wait3A_127 = arith.constant 2 : i32
        %dma_wait3A_128 = arith.constant 0 : i32
        %dma_wait3A_129 = arith.constant 0 : i32
        %dma_wait3A_130 = tpu.memref_slice %arg6[%dma_wait3A_127, %dma_wait3A_128, %dma_wait3A_129] : memref<3x64x128xf32, #tpu.memory_space<vmem>> -> memref<1x64x128xf32, #tpu.memory_space<vmem>>
        %dma_wait3A_131 = tpu.memref_squeeze %dma_wait3A_130 : memref<1x64x128xf32, #tpu.memory_space<vmem>> -> memref<64x128xf32, #tpu.memory_space<vmem>>
        %dma_wait3A_132 = tpu.memref_slice %arg5[%sub3A_126] : memref<3136xi32, #tpu.memory_space<vmem>> -> memref<64xi32, #tpu.memory_space<vmem>>
        %dma_wait3A_133 = arith.constant 0 : i32
        %dma_wait3A_134 = arith.constant 0 : i32
        %dma_wait3A_135 = tpu.memref_slice %arg7[%dma_wait3A_133, %dma_wait3A_134] : memref<104x128xf32, #tpu.memory_space<vmem_shared>> -> memref<104x128xf32, #tpu.memory_space<vmem_shared>>
        tpu.wait_indirect_dma semaphore(%arg10 : memref<!tpu.dma_semaphore, #tpu.memory_space<semaphore_mem>>) src(%dma_wait3A_135 : memref<104x128xf32, #tpu.memory_space<vmem_shared>>) dst(%dma_wait3A_131 : memref<64x128xf32, #tpu.memory_space<vmem>>)
        %add3A_136 = arith.addi %mul3A_4, %add3A_109 : i32
        %mul3A_137 = arith.constant 64 : i32
        %mul3A_138 = arith.muli %add3A_136, %mul3A_137 : i32
        %min3A_139 = arith.constant 99936 : i32
        %min3A_140 = arith.minsi %mul3A_138, %min3A_139 : i32
        %multiple_of3A_141 = tpu.assume_multiple %min3A_140, 8 : i32
        %run_scoped3A_142 = arith.constant 2 : i32
        "tpu.region"() ({
          %run_scoped3A_143 = tpu.sem_alloc : memref<!tpu.dma_semaphore, #tpu.memory_space<semaphore_mem>>
          %dma_start3A = arith.constant 0 : i32
          %dma_start3A_144 = arith.constant 0 : i32
          %dma_start3A_145 = tpu.memref_slice %arg6[%run_scoped3A_142, %dma_start3A, %dma_start3A_144] : memref<3x64x128xf32, #tpu.memory_space<vmem>> -> memref<1x64x128xf32, #tpu.memory_space<vmem>>
          %dma_start3A_146 = tpu.memref_squeeze %dma_start3A_145 : memref<1x64x128xf32, #tpu.memory_space<vmem>> -> memref<64x128xf32, #tpu.memory_space<vmem>>
          %dma_start3A_147 = arith.constant 0 : i32
          %dma_start3A_148 = tpu.memref_slice %arg4[%multiple_of3A_141, %dma_start3A_147] : memref<100000x128xf32, #tpu.memory_space<hbm>> -> memref<64x128xf32, #tpu.memory_space<hbm>>
          %dma_start3A_149 = arith.constant 0 : i32
          %dma_start3A_150 = tpu.memref_slice %arg4[%multiple_of3A_141, %dma_start3A_149] : memref<100000x128xf32, #tpu.memory_space<hbm>> -> memref<64x128xf32, #tpu.memory_space<hbm>>
          %dma_start3A_151 = arith.constant 0 : i32
          %dma_start3A_152 = arith.constant 0 : i32
          %dma_start3A_153 = tpu.memref_slice %arg6[%run_scoped3A_142, %dma_start3A_151, %dma_start3A_152] : memref<3x64x128xf32, #tpu.memory_space<vmem>> -> memref<1x64x128xf32, #tpu.memory_space<vmem>>
          %dma_start3A_154 = tpu.memref_squeeze %dma_start3A_153 : memref<1x64x128xf32, #tpu.memory_space<vmem>> -> memref<64x128xf32, #tpu.memory_space<vmem>>
          tpu.enqueue_dma source(%dma_start3A_154 : memref<64x128xf32, #tpu.memory_space<vmem>>) target(%dma_start3A_150 : memref<64x128xf32, #tpu.memory_space<hbm>>) target_semaphore(%run_scoped3A_143 : memref<!tpu.dma_semaphore, #tpu.memory_space<semaphore_mem>>)
          %dma_wait3A_155 = arith.constant 0 : i32
          %dma_wait3A_156 = arith.constant 0 : i32
          %dma_wait3A_157 = tpu.memref_slice %arg6[%run_scoped3A_142, %dma_wait3A_155, %dma_wait3A_156] : memref<3x64x128xf32, #tpu.memory_space<vmem>> -> memref<1x64x128xf32, #tpu.memory_space<vmem>>
          %dma_wait3A_158 = tpu.memref_squeeze %dma_wait3A_157 : memref<1x64x128xf32, #tpu.memory_space<vmem>> -> memref<64x128xf32, #tpu.memory_space<vmem>>
          %dma_wait3A_159 = arith.constant 0 : i32
          %dma_wait3A_160 = tpu.memref_slice %arg4[%multiple_of3A_141, %dma_wait3A_159] : memref<100000x128xf32, #tpu.memory_space<hbm>> -> memref<64x128xf32, #tpu.memory_space<hbm>>
          %dma_wait3A_161 = arith.constant 0 : i32
          %dma_wait3A_162 = tpu.memref_slice %arg4[%multiple_of3A_141, %dma_wait3A_161] : memref<100000x128xf32, #tpu.memory_space<hbm>> -> memref<64x128xf32, #tpu.memory_space<hbm>>
          %dma_wait3A_163 = arith.constant 0 : i32
          %dma_wait3A_164 = arith.constant 0 : i32
          %dma_wait3A_165 = tpu.memref_slice %arg6[%run_scoped3A_142, %dma_wait3A_163, %dma_wait3A_164] : memref<3x64x128xf32, #tpu.memory_space<vmem>> -> memref<1x64x128xf32, #tpu.memory_space<vmem>>
          %dma_wait3A_166 = tpu.memref_squeeze %dma_wait3A_165 : memref<1x64x128xf32, #tpu.memory_space<vmem>> -> memref<64x128xf32, #tpu.memory_space<vmem>>
          tpu.wait_dma2 semaphore(%run_scoped3A_143 : memref<!tpu.dma_semaphore, #tpu.memory_space<semaphore_mem>>) src(%dma_wait3A_166 : memref<64x128xf32, #tpu.memory_space<vmem>>) dst(%dma_wait3A_162 : memref<64x128xf32, #tpu.memory_space<hbm>>)
          tpu.yield
        }) : () -> ()
      } else {
      }
      %add3A_114 = arith.constant 3 : i32
      %add3A_115 = arith.addi %add3A_109, %add3A_114 : i32
      %lt3A_116 = arith.cmpi slt, %add3A_115, %min3A : i32
      %convert_element_type3A_117 = arith.extui %lt3A_116 : i1 to i32
      %cond3A_118 = arith.constant 0 : i32
      %cond3A_119 = arith.cmpi ne, %convert_element_type3A_117, %cond3A_118 : i32
      scf.if %cond3A_119 {
        %add3A_120 = arith.constant 3 : i32
        %add3A_121 = arith.addi %add3A_109, %add3A_120 : i32
        %add3A_122 = arith.addi %mul3A_4, %add3A_121 : i32
        %mul3A_123 = arith.constant 64 : i32
        %mul3A_124 = arith.muli %add3A_122, %mul3A_123 : i32
        %min3A_125 = arith.constant 99936 : i32
        %min3A_126 = arith.minsi %mul3A_124, %min3A_125 : i32
        %multiple_of3A_127 = tpu.assume_multiple %min3A_126, 8 : i32
        %sub3A_128 = arith.subi %multiple_of3A_127, %multiple_of3A : i32
        %dma_start3A = arith.constant 2 : i32
        %dma_start3A_129 = arith.constant 0 : i32
        %dma_start3A_130 = arith.constant 0 : i32
        %dma_start3A_131 = tpu.memref_slice %arg6[%dma_start3A, %dma_start3A_129, %dma_start3A_130] : memref<3x64x128xf32, #tpu.memory_space<vmem>> -> memref<1x64x128xf32, #tpu.memory_space<vmem>>
        %dma_start3A_132 = tpu.memref_squeeze %dma_start3A_131 : memref<1x64x128xf32, #tpu.memory_space<vmem>> -> memref<64x128xf32, #tpu.memory_space<vmem>>
        %dma_start3A_133 = tpu.memref_slice %arg5[%sub3A_128] : memref<3136xi32, #tpu.memory_space<vmem>> -> memref<64xi32, #tpu.memory_space<vmem>>
        %dma_start3A_134 = arith.constant 0 : i32
        %dma_start3A_135 = arith.constant 0 : i32
        %dma_start3A_136 = tpu.memref_slice %arg7[%dma_start3A_134, %dma_start3A_135] : memref<104x128xf32, #tpu.memory_space<vmem_shared>> -> memref<104x128xf32, #tpu.memory_space<vmem_shared>>
        tpu.enqueue_indirect_dma source(%dma_start3A_136 : memref<104x128xf32, #tpu.memory_space<vmem_shared>>) target(%dma_start3A_132 : memref<64x128xf32, #tpu.memory_space<vmem>>) offsets(%dma_start3A_133 : memref<64xi32, #tpu.memory_space<vmem>>) semaphore(%arg10 : memref<!tpu.dma_semaphore, #tpu.memory_space<semaphore_mem>>)
      } else {
      }
    }
    %while3A_60 = arith.constant 1 : i32
    scf.for %while3A_61 = %while3A_58 to %while3A_54 step %while3A_60  : i32 {
      %mul3A_62 = arith.constant 3 : i32
      %mul3A_63 = arith.muli %while3A_61, %mul3A_62 : i32
      %add3A_64 = arith.constant 0 : i32
      %add3A_65 = arith.addi %mul3A_63, %add3A_64 : i32
      %add3A_66 = arith.addi %mul3A_4, %add3A_65 : i32
      %mul3A_67 = arith.constant 64 : i32
      %mul3A_68 = arith.muli %add3A_66, %mul3A_67 : i32
      %min3A_69 = arith.constant 99936 : i32
      %min3A_70 = arith.minsi %mul3A_68, %min3A_69 : i32
      %multiple_of3A_71 = tpu.assume_multiple %min3A_70, 8 : i32
      %sub3A_72 = arith.subi %multiple_of3A_71, %multiple_of3A : i32
      %dma_wait3A = arith.constant 0 : i32
      %dma_wait3A_73 = arith.constant 0 : i32
      %dma_wait3A_74 = arith.constant 0 : i32
      %dma_wait3A_75 = tpu.memref_slice %arg6[%dma_wait3A, %dma_wait3A_73, %dma_wait3A_74] : memref<3x64x128xf32, #tpu.memory_space<vmem>> -> memref<1x64x128xf32, #tpu.memory_space<vmem>>
      %dma_wait3A_76 = tpu.memref_squeeze %dma_wait3A_75 : memref<1x64x128xf32, #tpu.memory_space<vmem>> -> memref<64x128xf32, #tpu.memory_space<vmem>>
      %dma_wait3A_77 = tpu.memref_slice %arg5[%sub3A_72] : memref<3136xi32, #tpu.memory_space<vmem>> -> memref<64xi32, #tpu.memory_space<vmem>>
      %dma_wait3A_78 = arith.constant 0 : i32
      %dma_wait3A_79 = arith.constant 0 : i32
      %dma_wait3A_80 = tpu.memref_slice %arg7[%dma_wait3A_78, %dma_wait3A_79] : memref<104x128xf32, #tpu.memory_space<vmem_shared>> -> memref<104x128xf32, #tpu.memory_space<vmem_shared>>
      tpu.wait_indirect_dma semaphore(%arg8 : memref<!tpu.dma_semaphore, #tpu.memory_space<semaphore_mem>>) src(%dma_wait3A_80 : memref<104x128xf32, #tpu.memory_space<vmem_shared>>) dst(%dma_wait3A_76 : memref<64x128xf32, #tpu.memory_space<vmem>>)
      %add3A_81 = arith.addi %mul3A_4, %add3A_65 : i32
      %mul3A_82 = arith.constant 64 : i32
      %mul3A_83 = arith.muli %add3A_81, %mul3A_82 : i32
      %min3A_84 = arith.constant 99936 : i32
      %min3A_85 = arith.minsi %mul3A_83, %min3A_84 : i32
      %multiple_of3A_86 = tpu.assume_multiple %min3A_85, 8 : i32
      %run_scoped3A = arith.constant 0 : i32
      "tpu.region"() ({
        %run_scoped3A_120 = tpu.sem_alloc : memref<!tpu.dma_semaphore, #tpu.memory_space<semaphore_mem>>
        %dma_start3A = arith.constant 0 : i32
        %dma_start3A_121 = arith.constant 0 : i32
        %dma_start3A_122 = tpu.memref_slice %arg6[%run_scoped3A, %dma_start3A, %dma_start3A_121] : memref<3x64x128xf32, #tpu.memory_space<vmem>> -> memref<1x64x128xf32, #tpu.memory_space<vmem>>
        %dma_start3A_123 = tpu.memref_squeeze %dma_start3A_122 : memref<1x64x128xf32, #tpu.memory_space<vmem>> -> memref<64x128xf32, #tpu.memory_space<vmem>>
        %dma_start3A_124 = arith.constant 0 : i32
        %dma_start3A_125 = tpu.memref_slice %arg4[%multiple_of3A_86, %dma_start3A_124] : memref<100000x128xf32, #tpu.memory_space<hbm>> -> memref<64x128xf32, #tpu.memory_space<hbm>>
        %dma_start3A_126 = arith.constant 0 : i32
        %dma_start3A_127 = tpu.memref_slice %arg4[%multiple_of3A_86, %dma_start3A_126] : memref<100000x128xf32, #tpu.memory_space<hbm>> -> memref<64x128xf32, #tpu.memory_space<hbm>>
        %dma_start3A_128 = arith.constant 0 : i32
        %dma_start3A_129 = arith.constant 0 : i32
        %dma_start3A_130 = tpu.memref_slice %arg6[%run_scoped3A, %dma_start3A_128, %dma_start3A_129] : memref<3x64x128xf32, #tpu.memory_space<vmem>> -> memref<1x64x128xf32, #tpu.memory_space<vmem>>
        %dma_start3A_131 = tpu.memref_squeeze %dma_start3A_130 : memref<1x64x128xf32, #tpu.memory_space<vmem>> -> memref<64x128xf32, #tpu.memory_space<vmem>>
        tpu.enqueue_dma source(%dma_start3A_131 : memref<64x128xf32, #tpu.memory_space<vmem>>) target(%dma_start3A_127 : memref<64x128xf32, #tpu.memory_space<hbm>>) target_semaphore(%run_scoped3A_120 : memref<!tpu.dma_semaphore, #tpu.memory_space<semaphore_mem>>)
        %dma_wait3A_132 = arith.constant 0 : i32
        %dma_wait3A_133 = arith.constant 0 : i32
        %dma_wait3A_134 = tpu.memref_slice %arg6[%run_scoped3A, %dma_wait3A_132, %dma_wait3A_133] : memref<3x64x128xf32, #tpu.memory_space<vmem>> -> memref<1x64x128xf32, #tpu.memory_space<vmem>>
        %dma_wait3A_135 = tpu.memref_squeeze %dma_wait3A_134 : memref<1x64x128xf32, #tpu.memory_space<vmem>> -> memref<64x128xf32, #tpu.memory_space<vmem>>
        %dma_wait3A_136 = arith.constant 0 : i32
        %dma_wait3A_137 = tpu.memref_slice %arg4[%multiple_of3A_86, %dma_wait3A_136] : memref<100000x128xf32, #tpu.memory_space<hbm>> -> memref<64x128xf32, #tpu.memory_space<hbm>>
        %dma_wait3A_138 = arith.constant 0 : i32
        %dma_wait3A_139 = tpu.memref_slice %arg4[%multiple_of3A_86, %dma_wait3A_138] : memref<100000x128xf32, #tpu.memory_space<hbm>> -> memref<64x128xf32, #tpu.memory_space<hbm>>
        %dma_wait3A_140 = arith.constant 0 : i32
        %dma_wait3A_141 = arith.constant 0 : i32
        %dma_wait3A_142 = tpu.memref_slice %arg6[%run_scoped3A, %dma_wait3A_140, %dma_wait3A_141] : memref<3x64x128xf32, #tpu.memory_space<vmem>> -> memref<1x64x128xf32, #tpu.memory_space<vmem>>
        %dma_wait3A_143 = tpu.memref_squeeze %dma_wait3A_142 : memref<1x64x128xf32, #tpu.memory_space<vmem>> -> memref<64x128xf32, #tpu.memory_space<vmem>>
        tpu.wait_dma2 semaphore(%run_scoped3A_120 : memref<!tpu.dma_semaphore, #tpu.memory_space<semaphore_mem>>) src(%dma_wait3A_143 : memref<64x128xf32, #tpu.memory_space<vmem>>) dst(%dma_wait3A_139 : memref<64x128xf32, #tpu.memory_space<hbm>>)
        tpu.yield
      }) : () -> ()
      %add3A_87 = arith.constant 3 : i32
      %add3A_88 = arith.addi %add3A_65, %add3A_87 : i32
      %lt3A = arith.cmpi slt, %add3A_88, %min3A : i32
      %convert_element_type3A_89 = arith.extui %lt3A : i1 to i32
      %cond3A_90 = arith.constant 0 : i32
      %cond3A_91 = arith.cmpi ne, %convert_element_type3A_89, %cond3A_90 : i32
      scf.if %cond3A_91 {
        %add3A_120 = arith.constant 3 : i32
        %add3A_121 = arith.addi %add3A_65, %add3A_120 : i32
        %add3A_122 = arith.addi %mul3A_4, %add3A_121 : i32
        %mul3A_123 = arith.constant 64 : i32
        %mul3A_124 = arith.muli %add3A_122, %mul3A_123 : i32
        %min3A_125 = arith.constant 99936 : i32
        %min3A_126 = arith.minsi %mul3A_124, %min3A_125 : i32
        %multiple_of3A_127 = tpu.assume_multiple %min3A_126, 8 : i32
        %sub3A_128 = arith.subi %multiple_of3A_127, %multiple_of3A : i32
        %dma_start3A = arith.constant 0 : i32
        %dma_start3A_129 = arith.constant 0 : i32
        %dma_start3A_130 = arith.constant 0 : i32
        %dma_start3A_131 = tpu.memref_slice %arg6[%dma_start3A, %dma_start3A_129, %dma_start3A_130] : memref<3x64x128xf32, #tpu.memory_space<vmem>> -> memref<1x64x128xf32, #tpu.memory_space<vmem>>
        %dma_start3A_132 = tpu.memref_squeeze %dma_start3A_131 : memref<1x64x128xf32, #tpu.memory_space<vmem>> -> memref<64x128xf32, #tpu.memory_space<vmem>>
        %dma_start3A_133 = tpu.memref_slice %arg5[%sub3A_128] : memref<3136xi32, #tpu.memory_space<vmem>> -> memref<64xi32, #tpu.memory_space<vmem>>
        %dma_start3A_134 = arith.constant 0 : i32
        %dma_start3A_135 = arith.constant 0 : i32
        %dma_start3A_136 = tpu.memref_slice %arg7[%dma_start3A_134, %dma_start3A_135] : memref<104x128xf32, #tpu.memory_space<vmem_shared>> -> memref<104x128xf32, #tpu.memory_space<vmem_shared>>
        tpu.enqueue_indirect_dma source(%dma_start3A_136 : memref<104x128xf32, #tpu.memory_space<vmem_shared>>) target(%dma_start3A_132 : memref<64x128xf32, #tpu.memory_space<vmem>>) offsets(%dma_start3A_133 : memref<64xi32, #tpu.memory_space<vmem>>) semaphore(%arg8 : memref<!tpu.dma_semaphore, #tpu.memory_space<semaphore_mem>>)
      } else {
      }
      %mul3A_92 = arith.constant 3 : i32
      %mul3A_93 = arith.muli %while3A_61, %mul3A_92 : i32
      %add3A_94 = arith.constant 1 : i32
      %add3A_95 = arith.addi %mul3A_93, %add3A_94 : i32
      %lt3A_96 = arith.cmpi slt, %add3A_95, %min3A : i32
      %convert_element_type3A_97 = arith.extui %lt3A_96 : i1 to i32
      %cond3A_98 = arith.constant 0 : i32
      %cond3A_99 = arith.cmpi ne, %convert_element_type3A_97, %cond3A_98 : i32
      scf.if %cond3A_99 {
        %add3A_120 = arith.addi %mul3A_4, %add3A_95 : i32
        %mul3A_121 = arith.constant 64 : i32
        %mul3A_122 = arith.muli %add3A_120, %mul3A_121 : i32
        %min3A_123 = arith.constant 99936 : i32
        %min3A_124 = arith.minsi %mul3A_122, %min3A_123 : i32
        %multiple_of3A_125 = tpu.assume_multiple %min3A_124, 8 : i32
        %sub3A_126 = arith.subi %multiple_of3A_125, %multiple_of3A : i32
        %dma_wait3A_127 = arith.constant 1 : i32
        %dma_wait3A_128 = arith.constant 0 : i32
        %dma_wait3A_129 = arith.constant 0 : i32
        %dma_wait3A_130 = tpu.memref_slice %arg6[%dma_wait3A_127, %dma_wait3A_128, %dma_wait3A_129] : memref<3x64x128xf32, #tpu.memory_space<vmem>> -> memref<1x64x128xf32, #tpu.memory_space<vmem>>
        %dma_wait3A_131 = tpu.memref_squeeze %dma_wait3A_130 : memref<1x64x128xf32, #tpu.memory_space<vmem>> -> memref<64x128xf32, #tpu.memory_space<vmem>>
        %dma_wait3A_132 = tpu.memref_slice %arg5[%sub3A_126] : memref<3136xi32, #tpu.memory_space<vmem>> -> memref<64xi32, #tpu.memory_space<vmem>>
        %dma_wait3A_133 = arith.constant 0 : i32
        %dma_wait3A_134 = arith.constant 0 : i32
        %dma_wait3A_135 = tpu.memref_slice %arg7[%dma_wait3A_133, %dma_wait3A_134] : memref<104x128xf32, #tpu.memory_space<vmem_shared>> -> memref<104x128xf32, #tpu.memory_space<vmem_shared>>
        tpu.wait_indirect_dma semaphore(%arg9 : memref<!tpu.dma_semaphore, #tpu.memory_space<semaphore_mem>>) src(%dma_wait3A_135 : memref<104x128xf32, #tpu.memory_space<vmem_shared>>) dst(%dma_wait3A_131 : memref<64x128xf32, #tpu.memory_space<vmem>>)
        %add3A_136 = arith.addi %mul3A_4, %add3A_95 : i32
        %mul3A_137 = arith.constant 64 : i32
        %mul3A_138 = arith.muli %add3A_136, %mul3A_137 : i32
        %min3A_139 = arith.constant 99936 : i32
        %min3A_140 = arith.minsi %mul3A_138, %min3A_139 : i32
        %multiple_of3A_141 = tpu.assume_multiple %min3A_140, 8 : i32
        %run_scoped3A_142 = arith.constant 1 : i32
        "tpu.region"() ({
          %run_scoped3A_143 = tpu.sem_alloc : memref<!tpu.dma_semaphore, #tpu.memory_space<semaphore_mem>>
          %dma_start3A = arith.constant 0 : i32
          %dma_start3A_144 = arith.constant 0 : i32
          %dma_start3A_145 = tpu.memref_slice %arg6[%run_scoped3A_142, %dma_start3A, %dma_start3A_144] : memref<3x64x128xf32, #tpu.memory_space<vmem>> -> memref<1x64x128xf32, #tpu.memory_space<vmem>>
          %dma_start3A_146 = tpu.memref_squeeze %dma_start3A_145 : memref<1x64x128xf32, #tpu.memory_space<vmem>> -> memref<64x128xf32, #tpu.memory_space<vmem>>
          %dma_start3A_147 = arith.constant 0 : i32
          %dma_start3A_148 = tpu.memref_slice %arg4[%multiple_of3A_141, %dma_start3A_147] : memref<100000x128xf32, #tpu.memory_space<hbm>> -> memref<64x128xf32, #tpu.memory_space<hbm>>
          %dma_start3A_149 = arith.constant 0 : i32
          %dma_start3A_150 = tpu.memref_slice %arg4[%multiple_of3A_141, %dma_start3A_149] : memref<100000x128xf32, #tpu.memory_space<hbm>> -> memref<64x128xf32, #tpu.memory_space<hbm>>
          %dma_start3A_151 = arith.constant 0 : i32
          %dma_start3A_152 = arith.constant 0 : i32
          %dma_start3A_153 = tpu.memref_slice %arg6[%run_scoped3A_142, %dma_start3A_151, %dma_start3A_152] : memref<3x64x128xf32, #tpu.memory_space<vmem>> -> memref<1x64x128xf32, #tpu.memory_space<vmem>>
          %dma_start3A_154 = tpu.memref_squeeze %dma_start3A_153 : memref<1x64x128xf32, #tpu.memory_space<vmem>> -> memref<64x128xf32, #tpu.memory_space<vmem>>
          tpu.enqueue_dma source(%dma_start3A_154 : memref<64x128xf32, #tpu.memory_space<vmem>>) target(%dma_start3A_150 : memref<64x128xf32, #tpu.memory_space<hbm>>) target_semaphore(%run_scoped3A_143 : memref<!tpu.dma_semaphore, #tpu.memory_space<semaphore_mem>>)
          %dma_wait3A_155 = arith.constant 0 : i32
          %dma_wait3A_156 = arith.constant 0 : i32
          %dma_wait3A_157 = tpu.memref_slice %arg6[%run_scoped3A_142, %dma_wait3A_155, %dma_wait3A_156] : memref<3x64x128xf32, #tpu.memory_space<vmem>> -> memref<1x64x128xf32, #tpu.memory_space<vmem>>
          %dma_wait3A_158 = tpu.memref_squeeze %dma_wait3A_157 : memref<1x64x128xf32, #tpu.memory_space<vmem>> -> memref<64x128xf32, #tpu.memory_space<vmem>>
          %dma_wait3A_159 = arith.constant 0 : i32
          %dma_wait3A_160 = tpu.memref_slice %arg4[%multiple_of3A_141, %dma_wait3A_159] : memref<100000x128xf32, #tpu.memory_space<hbm>> -> memref<64x128xf32, #tpu.memory_space<hbm>>
          %dma_wait3A_161 = arith.constant 0 : i32
          %dma_wait3A_162 = tpu.memref_slice %arg4[%multiple_of3A_141, %dma_wait3A_161] : memref<100000x128xf32, #tpu.memory_space<hbm>> -> memref<64x128xf32, #tpu.memory_space<hbm>>
          %dma_wait3A_163 = arith.constant 0 : i32
          %dma_wait3A_164 = arith.constant 0 : i32
          %dma_wait3A_165 = tpu.memref_slice %arg6[%run_scoped3A_142, %dma_wait3A_163, %dma_wait3A_164] : memref<3x64x128xf32, #tpu.memory_space<vmem>> -> memref<1x64x128xf32, #tpu.memory_space<vmem>>
          %dma_wait3A_166 = tpu.memref_squeeze %dma_wait3A_165 : memref<1x64x128xf32, #tpu.memory_space<vmem>> -> memref<64x128xf32, #tpu.memory_space<vmem>>
          tpu.wait_dma2 semaphore(%run_scoped3A_143 : memref<!tpu.dma_semaphore, #tpu.memory_space<semaphore_mem>>) src(%dma_wait3A_166 : memref<64x128xf32, #tpu.memory_space<vmem>>) dst(%dma_wait3A_162 : memref<64x128xf32, #tpu.memory_space<hbm>>)
          tpu.yield
        }) : () -> ()
      } else {
      }
      %add3A_100 = arith.constant 3 : i32
      %add3A_101 = arith.addi %add3A_95, %add3A_100 : i32
      %lt3A_102 = arith.cmpi slt, %add3A_101, %min3A : i32
      %convert_element_type3A_103 = arith.extui %lt3A_102 : i1 to i32
      %cond3A_104 = arith.constant 0 : i32
      %cond3A_105 = arith.cmpi ne, %convert_element_type3A_103, %cond3A_104 : i32
      scf.if %cond3A_105 {
        %add3A_120 = arith.constant 3 : i32
        %add3A_121 = arith.addi %add3A_95, %add3A_120 : i32
        %add3A_122 = arith.addi %mul3A_4, %add3A_121 : i32
        %mul3A_123 = arith.constant 64 : i32
        %mul3A_124 = arith.muli %add3A_122, %mul3A_123 : i32
        %min3A_125 = arith.constant 99936 : i32
        %min3A_126 = arith.minsi %mul3A_124, %min3A_125 : i32
        %multiple_of3A_127 = tpu.assume_multiple %min3A_126, 8 : i32
        %sub3A_128 = arith.subi %multiple_of3A_127, %multiple_of3A : i32
        %dma_start3A = arith.constant 1 : i32
        %dma_start3A_129 = arith.constant 0 : i32
        %dma_start3A_130 = arith.constant 0 : i32
        %dma_start3A_131 = tpu.memref_slice %arg6[%dma_start3A, %dma_start3A_129, %dma_start3A_130] : memref<3x64x128xf32, #tpu.memory_space<vmem>> -> memref<1x64x128xf32, #tpu.memory_space<vmem>>
        %dma_start3A_132 = tpu.memref_squeeze %dma_start3A_131 : memref<1x64x128xf32, #tpu.memory_space<vmem>> -> memref<64x128xf32, #tpu.memory_space<vmem>>
        %dma_start3A_133 = tpu.memref_slice %arg5[%sub3A_128] : memref<3136xi32, #tpu.memory_space<vmem>> -> memref<64xi32, #tpu.memory_space<vmem>>
        %dma_start3A_134 = arith.constant 0 : i32
        %dma_start3A_135 = arith.constant 0 : i32
        %dma_start3A_136 = tpu.memref_slice %arg7[%dma_start3A_134, %dma_start3A_135] : memref<104x128xf32, #tpu.memory_space<vmem_shared>> -> memref<104x128xf32, #tpu.memory_space<vmem_shared>>
        tpu.enqueue_indirect_dma source(%dma_start3A_136 : memref<104x128xf32, #tpu.memory_space<vmem_shared>>) target(%dma_start3A_132 : memref<64x128xf32, #tpu.memory_space<vmem>>) offsets(%dma_start3A_133 : memref<64xi32, #tpu.memory_space<vmem>>) semaphore(%arg9 : memref<!tpu.dma_semaphore, #tpu.memory_space<semaphore_mem>>)
      } else {
      }
      %mul3A_106 = arith.constant 3 : i32
      %mul3A_107 = arith.muli %while3A_61, %mul3A_106 : i32
      %add3A_108 = arith.constant 2 : i32
      %add3A_109 = arith.addi %mul3A_107, %add3A_108 : i32
      %lt3A_110 = arith.cmpi slt, %add3A_109, %min3A : i32
      %convert_element_type3A_111 = arith.extui %lt3A_110 : i1 to i32
      %cond3A_112 = arith.constant 0 : i32
      %cond3A_113 = arith.cmpi ne, %convert_element_type3A_111, %cond3A_112 : i32
      scf.if %cond3A_113 {
        %add3A_120 = arith.addi %mul3A_4, %add3A_109 : i32
        %mul3A_121 = arith.constant 64 : i32
        %mul3A_122 = arith.muli %add3A_120, %mul3A_121 : i32
        %min3A_123 = arith.constant 99936 : i32
        %min3A_124 = arith.minsi %mul3A_122, %min3A_123 : i32
        %multiple_of3A_125 = tpu.assume_multiple %min3A_124, 8 : i32
        %sub3A_126 = arith.subi %multiple_of3A_125, %multiple_of3A : i32
        %dma_wait3A_127 = arith.constant 2 : i32
        %dma_wait3A_128 = arith.constant 0 : i32
        %dma_wait3A_129 = arith.constant 0 : i32
        %dma_wait3A_130 = tpu.memref_slice %arg6[%dma_wait3A_127, %dma_wait3A_128, %dma_wait3A_129] : memref<3x64x128xf32, #tpu.memory_space<vmem>> -> memref<1x64x128xf32, #tpu.memory_space<vmem>>
        %dma_wait3A_131 = tpu.memref_squeeze %dma_wait3A_130 : memref<1x64x128xf32, #tpu.memory_space<vmem>> -> memref<64x128xf32, #tpu.memory_space<vmem>>
        %dma_wait3A_132 = tpu.memref_slice %arg5[%sub3A_126] : memref<3136xi32, #tpu.memory_space<vmem>> -> memref<64xi32, #tpu.memory_space<vmem>>
        %dma_wait3A_133 = arith.constant 0 : i32
        %dma_wait3A_134 = arith.constant 0 : i32
        %dma_wait3A_135 = tpu.memref_slice %arg7[%dma_wait3A_133, %dma_wait3A_134] : memref<104x128xf32, #tpu.memory_space<vmem_shared>> -> memref<104x128xf32, #tpu.memory_space<vmem_shared>>
        tpu.wait_indirect_dma semaphore(%arg10 : memref<!tpu.dma_semaphore, #tpu.memory_space<semaphore_mem>>) src(%dma_wait3A_135 : memref<104x128xf32, #tpu.memory_space<vmem_shared>>) dst(%dma_wait3A_131 : memref<64x128xf32, #tpu.memory_space<vmem>>)
        %add3A_136 = arith.addi %mul3A_4, %add3A_109 : i32
        %mul3A_137 = arith.constant 64 : i32
        %mul3A_138 = arith.muli %add3A_136, %mul3A_137 : i32
        %min3A_139 = arith.constant 99936 : i32
        %min3A_140 = arith.minsi %mul3A_138, %min3A_139 : i32
        %multiple_of3A_141 = tpu.assume_multiple %min3A_140, 8 : i32
        %run_scoped3A_142 = arith.constant 2 : i32
        "tpu.region"() ({
          %run_scoped3A_143 = tpu.sem_alloc : memref<!tpu.dma_semaphore, #tpu.memory_space<semaphore_mem>>
          %dma_start3A = arith.constant 0 : i32
          %dma_start3A_144 = arith.constant 0 : i32
          %dma_start3A_145 = tpu.memref_slice %arg6[%run_scoped3A_142, %dma_start3A, %dma_start3A_144] : memref<3x64x128xf32, #tpu.memory_space<vmem>> -> memref<1x64x128xf32, #tpu.memory_space<vmem>>
          %dma_start3A_146 = tpu.memref_squeeze %dma_start3A_145 : memref<1x64x128xf32, #tpu.memory_space<vmem>> -> memref<64x128xf32, #tpu.memory_space<vmem>>
          %dma_start3A_147 = arith.constant 0 : i32
          %dma_start3A_148 = tpu.memref_slice %arg4[%multiple_of3A_141, %dma_start3A_147] : memref<100000x128xf32, #tpu.memory_space<hbm>> -> memref<64x128xf32, #tpu.memory_space<hbm>>
          %dma_start3A_149 = arith.constant 0 : i32
          %dma_start3A_150 = tpu.memref_slice %arg4[%multiple_of3A_141, %dma_start3A_149] : memref<100000x128xf32, #tpu.memory_space<hbm>> -> memref<64x128xf32, #tpu.memory_space<hbm>>
          %dma_start3A_151 = arith.constant 0 : i32
          %dma_start3A_152 = arith.constant 0 : i32
          %dma_start3A_153 = tpu.memref_slice %arg6[%run_scoped3A_142, %dma_start3A_151, %dma_start3A_152] : memref<3x64x128xf32, #tpu.memory_space<vmem>> -> memref<1x64x128xf32, #tpu.memory_space<vmem>>
          %dma_start3A_154 = tpu.memref_squeeze %dma_start3A_153 : memref<1x64x128xf32, #tpu.memory_space<vmem>> -> memref<64x128xf32, #tpu.memory_space<vmem>>
          tpu.enqueue_dma source(%dma_start3A_154 : memref<64x128xf32, #tpu.memory_space<vmem>>) target(%dma_start3A_150 : memref<64x128xf32, #tpu.memory_space<hbm>>) target_semaphore(%run_scoped3A_143 : memref<!tpu.dma_semaphore, #tpu.memory_space<semaphore_mem>>)
          %dma_wait3A_155 = arith.constant 0 : i32
          %dma_wait3A_156 = arith.constant 0 : i32
          %dma_wait3A_157 = tpu.memref_slice %arg6[%run_scoped3A_142, %dma_wait3A_155, %dma_wait3A_156] : memref<3x64x128xf32, #tpu.memory_space<vmem>> -> memref<1x64x128xf32, #tpu.memory_space<vmem>>
          %dma_wait3A_158 = tpu.memref_squeeze %dma_wait3A_157 : memref<1x64x128xf32, #tpu.memory_space<vmem>> -> memref<64x128xf32, #tpu.memory_space<vmem>>
          %dma_wait3A_159 = arith.constant 0 : i32
          %dma_wait3A_160 = tpu.memref_slice %arg4[%multiple_of3A_141, %dma_wait3A_159] : memref<100000x128xf32, #tpu.memory_space<hbm>> -> memref<64x128xf32, #tpu.memory_space<hbm>>
          %dma_wait3A_161 = arith.constant 0 : i32
          %dma_wait3A_162 = tpu.memref_slice %arg4[%multiple_of3A_141, %dma_wait3A_161] : memref<100000x128xf32, #tpu.memory_space<hbm>> -> memref<64x128xf32, #tpu.memory_space<hbm>>
          %dma_wait3A_163 = arith.constant 0 : i32
          %dma_wait3A_164 = arith.constant 0 : i32
          %dma_wait3A_165 = tpu.memref_slice %arg6[%run_scoped3A_142, %dma_wait3A_163, %dma_wait3A_164] : memref<3x64x128xf32, #tpu.memory_space<vmem>> -> memref<1x64x128xf32, #tpu.memory_space<vmem>>
          %dma_wait3A_166 = tpu.memref_squeeze %dma_wait3A_165 : memref<1x64x128xf32, #tpu.memory_space<vmem>> -> memref<64x128xf32, #tpu.memory_space<vmem>>
          tpu.wait_dma2 semaphore(%run_scoped3A_143 : memref<!tpu.dma_semaphore, #tpu.memory_space<semaphore_mem>>) src(%dma_wait3A_166 : memref<64x128xf32, #tpu.memory_space<vmem>>) dst(%dma_wait3A_162 : memref<64x128xf32, #tpu.memory_space<hbm>>)
          tpu.yield
        }) : () -> ()
      } else {
      }
      %add3A_114 = arith.constant 3 : i32
      %add3A_115 = arith.addi %add3A_109, %add3A_114 : i32
      %lt3A_116 = arith.cmpi slt, %add3A_115, %min3A : i32
      %convert_element_type3A_117 = arith.extui %lt3A_116 : i1 to i32
      %cond3A_118 = arith.constant 0 : i32
      %cond3A_119 = arith.cmpi ne, %convert_element_type3A_117, %cond3A_118 : i32
      scf.if %cond3A_119 {
        %add3A_120 = arith.constant 3 : i32
        %add3A_121 = arith.addi %add3A_109, %add3A_120 : i32
        %add3A_122 = arith.addi %mul3A_4, %add3A_121 : i32
        %mul3A_123 = arith.constant 64 : i32
        %mul3A_124 = arith.muli %add3A_122, %mul3A_123 : i32
        %min3A_125 = arith.constant 99936 : i32
        %min3A_126 = arith.minsi %mul3A_124, %min3A_125 : i32
        %multiple_of3A_127 = tpu.assume_multiple %min3A_126, 8 : i32
        %sub3A_128 = arith.subi %multiple_of3A_127, %multiple_of3A : i32
        %dma_start3A = arith.constant 2 : i32
        %dma_start3A_129 = arith.constant 0 : i32
        %dma_start3A_130 = arith.constant 0 : i32
        %dma_start3A_131 = tpu.memref_slice %arg6[%dma_start3A, %dma_start3A_129, %dma_start3A_130] : memref<3x64x128xf32, #tpu.memory_space<vmem>> -> memref<1x64x128xf32, #tpu.memory_space<vmem>>
        %dma_start3A_132 = tpu.memref_squeeze %dma_start3A_131 : memref<1x64x128xf32, #tpu.memory_space<vmem>> -> memref<64x128xf32, #tpu.memory_space<vmem>>
        %dma_start3A_133 = tpu.memref_slice %arg5[%sub3A_128] : memref<3136xi32, #tpu.memory_space<vmem>> -> memref<64xi32, #tpu.memory_space<vmem>>
        %dma_start3A_134 = arith.constant 0 : i32
        %dma_start3A_135 = arith.constant 0 : i32
        %dma_start3A_136 = tpu.memref_slice %arg7[%dma_start3A_134, %dma_start3A_135] : memref<104x128xf32, #tpu.memory_space<vmem_shared>> -> memref<104x128xf32, #tpu.memory_space<vmem_shared>>
        tpu.enqueue_indirect_dma source(%dma_start3A_136 : memref<104x128xf32, #tpu.memory_space<vmem_shared>>) target(%dma_start3A_132 : memref<64x128xf32, #tpu.memory_space<vmem>>) offsets(%dma_start3A_133 : memref<64xi32, #tpu.memory_space<vmem>>) semaphore(%arg10 : memref<!tpu.dma_semaphore, #tpu.memory_space<semaphore_mem>>)
      } else {
      }
    }
    return
  }
}

module attributes {stable_mosaic.version = 14 : i64} {
  func.func @_table_body(%arg0: memref<101x128xf32, #tpu.memory_space<vmem>>, %arg1: memref<101x16xf32, #tpu.memory_space<vmem>>, %arg2: memref<16x128xf32, #tpu.memory_space<vmem>>, %arg3: memref<128x128xf32, #tpu.memory_space<vmem>>, %arg4: memref<1x128xf32, #tpu.memory_space<vmem>>, %arg5: memref<104x128xf32, #tpu.memory_space<vmem>>) attributes {dimension_semantics = [], scalar_prefetch = 0 : i64, scratch_operands = 0 : i64, tpu.core_type = #tpu.core_type<tc>} {
    %get3A = arith.constant 0 : index
    %get3A_0 = arith.constant 0 : index
    %get3A_1 = vector.load %arg0[%get3A, %get3A_0] : memref<101x128xf32, #tpu.memory_space<vmem>>, vector<101x128xf32>
    %get3A_2 = arith.constant 0 : index
    %get3A_3 = arith.constant 0 : index
    %get3A_4 = vector.load %arg1[%get3A_2, %get3A_3] : memref<101x16xf32, #tpu.memory_space<vmem>>, vector<101x16xf32>
    %get3A_5 = arith.constant 0 : index
    %get3A_6 = arith.constant 0 : index
    %get3A_7 = vector.load %arg2[%get3A_5, %get3A_6] : memref<16x128xf32, #tpu.memory_space<vmem>>, vector<16x128xf32>
    %dot_general3A = arith.constant dense<0.000000e+00> : vector<101x128xf32>
    %dot_general3A_8 = tpu.matmul %get3A_4, %get3A_7, %dot_general3A {dimension_numbers = #tpu.dot_dimension_numbers<[1], [0], [0], [1], [0, 0, 1, 1], [], []>, transpose_lhs_hint = false} : vector<101x16xf32>, vector<16x128xf32>, vector<101x128xf32> -> vector<101x128xf32>
    %add3A = arith.addf %get3A_1, %dot_general3A_8 : vector<101x128xf32>
    %get3A_9 = arith.constant 0 : index
    %get3A_10 = arith.constant 0 : index
    %get3A_11 = vector.load %arg3[%get3A_9, %get3A_10] : memref<128x128xf32, #tpu.memory_space<vmem>>, vector<128x128xf32>
    %dot_general3A_12 = arith.constant dense<0.000000e+00> : vector<101x128xf32>
    %dot_general3A_13 = tpu.matmul %add3A, %get3A_11, %dot_general3A_12 {dimension_numbers = #tpu.dot_dimension_numbers<[1], [0], [0], [1], [0, 0, 1, 1], [], []>, transpose_lhs_hint = false} : vector<101x128xf32>, vector<128x128xf32>, vector<101x128xf32> -> vector<101x128xf32>
    %get3A_14 = arith.constant 0 : index
    %get3A_15 = arith.constant 0 : index
    %get3A_16 = vector.load %arg4[%get3A_14, %get3A_15] : memref<1x128xf32, #tpu.memory_space<vmem>>, vector<1x128xf32>
    %add3A_17 = vector.broadcast %get3A_16 : vector<1x128xf32> to vector<101x128xf32>
    %add3A_18 = arith.addf %dot_general3A_13, %add3A_17 : vector<101x128xf32>
    %logistic3A = arith.negf %add3A_18 : vector<101x128xf32>
    %logistic3A_19 = math.exp %logistic3A : vector<101x128xf32>
    %logistic3A_20 = arith.constant 1.000000e+00 : f32
    %logistic3A_21 = vector.broadcast %logistic3A_20 : f32 to vector<101x128xf32>
    %logistic3A_22 = arith.addf %logistic3A_21, %logistic3A_19 : vector<101x128xf32>
    %logistic3A_23 = arith.divf %logistic3A_21, %logistic3A_22 : vector<101x128xf32>
    %mul3A = arith.mulf %add3A_18, %logistic3A_23 : vector<101x128xf32>
    %broadcast_in_dim3A = arith.constant 0.000000e+00 : f32
    %broadcast_in_dim3A_24 = vector.broadcast %broadcast_in_dim3A : f32 to vector<3x128xf32>
    %concatenate3A = tpu.concatenate %mul3A, %broadcast_in_dim3A_24 in 0 : vector<101x128xf32>, vector<3x128xf32> -> vector<104x128xf32>
    %swap3A = arith.constant 0 : index
    %swap3A_25 = arith.constant 0 : index
    %swap3A_26 = vector.load %arg5[%swap3A, %swap3A_25] : memref<104x128xf32, #tpu.memory_space<vmem>>, vector<104x128xf32>
    tpu.vector_store %arg5[%swap3A, %swap3A_25], %concatenate3A {strides = array<i32>} : memref<104x128xf32, #tpu.memory_space<vmem>>, vector<104x128xf32>,
    return
  }
}

</mosaic_0001>

<sc_bundles>
// kernel: kernel.4.cloned.1.call-start
scs
__scs_entry_jumppad:
0x0: {  	(pc) =	sbr.rel $0x88, $3  }
0x1: {  	(tag) =	ssettag $0x0;
	lr =	simm.s32 $0x1  }
0x2: {  	[smem:$0x3F9B] =	sst lr;
	_ =	strace $0xD0000000  }
0x3: {  	_ = 	snop  }
0x4: {  	_ = 	snop  }
0x5: {  	_ = 	snop  }
0x6: {  	_ = 	snop  }
0x7: {  	_ = 	snop  }
__scs_overlays_trampoline_lowered:
0x8: {  	[smem:$0x3FAA] =	sst s0  }
0x9: {  	[smem:$0x3FAB] =	sst s1  }
0xa: {  	[smem:$0x3FAC] =	sst s2  }
0xb: {  	[smem:$0x3FAD] =	sst s3  }
0xc: {  	[smem:$0x3FAE] =	sst s4  }
0xd: {  	[smem:$0x3FAF] =	sst s5  }
0xe: {  	[smem:$0x3FB0] =	sst s6  }
0xf: {  	[smem:$0x3FB1] =	sst s7  }
0x10: {  	[smem:$0x3FB2] =	sst s8  }
0x11: {  	[smem:$0x3FB3] =	sst s9;
	s0 =	simm.s32 @!p0 $0x0  }
0x12: {  	s1 =	sld [smem:$0x3F99];
	s0 =	simm.s32 @p0 $0x1  }
0x13: {  	[smem:$0x3FB4] =	sst s0;
	s0 =	simm.s32 @!p1 $0x0  }
0x14: {  	s2 =	sld [smem:$0x3F98];
	s0 =	simm.s32 @p1 $0x1  }
0x15: {  	[smem:$0x3FB5] =	sst s0;
	s0 =	simm.s32 @!p2 $0x0  }
0x16: {  	s3 =	sld [smem:$0x3FDB];
	s0 =	simm.s32 @p2 $0x1  }
0x17: {  	s4 =	simm.s32 $0x1BF5;
	[smem:$0x3FB7] =	sst s0  }
0x18: {  	s0 =	sld [smem:$0x3F9A];
	_ =	swait.ge [sflag:s4], $0x0  }
0x19: {  	s7 =	sld [smem:$0x3F9B]  }
0x1a: {  	s8 =	sadd.s32 $0xFFFFE003, lr  }
0x1b: {  	s9 =	sadd.s32 $0xFFFFFEF7, lr;
	s5 =	simm.s32 $0xFFFFFFFF;
	p2 =	slt.u32 s8, $0xFFFFF086  }
0x1c: {  	p1 =	slt.u32 s9, $0xF7A;
	s5 =	simm.s32 @!p2 $0x0  }
0x1d: {  	s5 =	simm.s32 @p1 $0x1;
	p0 =	seq.s32 s7, s2  }
0x1e: {  	s7 =	smul.u32 @!p0 $0xF7A, s2;
	p2 =	seq.s32 @!p0 s5, $0x0  }
0x1f: {  	s9 =	smul.u32 $0xF7A, s1;
	s8 =	simm.s32 @!p0 $0x1BF5;
	p2 =	por !p2, p0  }
0x20: {  	[sflag:s8] =	ssyncset.s32 @!p0 $0xFFFFF086;
	s6 =	sadd.s32 @!p0 s3, s7;
	s7 =	simm.s32 @!p0 $0x108  }
0x21: {  	s3 =	sadd.s32 s3, s9;
	s6 =	sadd.s32 @!p0 $0x88, s6;
	s7 =	simm.s32 @p2 $0x1082  }
0x22: {  	[simem:s7], [sflag:s8] =	dma.local @!p0 [hbm:s6], $0xF7A  }
0x23: {  	s9 =	sor.u32 $0xD0000000, s2;
	s6 =	simm.s32 $0x108;
	_ =	swait.ge @!p0 [sflag:s8], $0x0  }
0x24: {  	s3 =	sadd.s32 $0x88, s3;
	s6 =	simm.s32 @!p1 $0x1082;
	[sflag:s4] =	ssyncset.s32 $0xFFFFF086  }
0x25: {  	[simem:s6], [sflag:s4] =	dma.local [hbm:s3], $0xF7A  }
0x26: {  	[smem:$0x3F9B] =	sst s1;
	(tag) =	ssettag s2;
	_ =	strace s9  }
0x27: {  	s1 =	sld [smem:$0x3FAB]  }
0x28: {  	s2 =	sld [smem:$0x3FAC]  }
0x29: {  	s4 =	sld [smem:$0x3FAE]  }
0x2a: {  	p0 =	seq.s32 s5, $0x0;
	s5 =	sld [smem:$0x3FAF]  }
0x2b: {  	s6 =	sld [smem:$0x3FB0]  }
0x2c: {  	s7 =	sld [smem:$0x3FB1]  }
0x2d: {  	s3 =	simm.s32 $0x108;
	s8 =	sld [smem:$0x3FB2]  }
0x2e: {  	s3 =	simm.s32 @!p0 $0x1082;
	s9 =	sld [smem:$0x3FB3]  }
0x2f: {  	lr =	sadd.s32 s0, s3;
	s0 =	sld [smem:$0x3FAA]  }
0x30: {  	s3 =	sld [smem:$0x3FAD]  }
0x31: {  	[smem:$0x3FB6] =	sst s10  }
0x32: {  	s10 =	sld [smem:$0x3FB4];
	_ =	sdelay $0x3  }
0x33: {  	p0 =	seq.s32 s10, $0x1;
	s10 =	sld [smem:$0x3FB6];
	_ =	sdelay $0x3  }
0x34: {  	[smem:$0x3FB6] =	sst s10  }
0x35: {  	s10 =	sld [smem:$0x3FB5];
	_ =	sdelay $0x3  }
0x36: {  	p1 =	seq.s32 s10, $0x1;
	s10 =	sld [smem:$0x3FB6];
	_ =	sdelay $0x3  }
0x37: {  	[smem:$0x3FB6] =	sst s10  }
0x38: {  	s10 =	sld [smem:$0x3FB7]  }
0x39: {  	_ = 	snop;
	(pc) =	sbr.ind lr, $3  }
0x3a: {  	_ = 	snop  }
0x3b: {  	_ = 	snop  }
0x3c: {  	p2 =	seq.s32 s10, $0x1;
	s10 =	sld [smem:$0x3FB6]  }
0x3d: {  	_ =	shalt  }
0x3e: {  	_ =	shalt  }
0x3f: {  	_ =	shalt  }
0x40: {  	_ =	shalt  }
0x41: {  	_ =	shalt  }
0x42: {  	_ =	shalt  }
0x43: {  	_ =	shalt  }
0x44: {  	_ =	shalt  }
0x45: {  	_ =	shalt  }
0x46: {  	_ =	shalt  }
0x47: {  	_ =	shalt  }
0x48: {  	_ =	shalt  }
0x49: {  	_ =	shalt  }
0x4a: {  	_ =	shalt  }
0x4b: {  	_ =	shalt  }
0x4c: {  	_ =	shalt  }
0x4d: {  	_ =	shalt  }
0x4e: {  	_ =	shalt  }
0x4f: {  	_ =	shalt  }
0x50: {  	_ =	shalt  }
0x51: {  	_ =	shalt  }
0x52: {  	_ =	shalt  }
0x53: {  	_ =	shalt  }
0x54: {  	_ =	shalt  }
0x55: {  	_ =	shalt  }
0x56: {  	_ =	shalt  }
0x57: {  	_ =	shalt  }
0x58: {  	_ =	shalt  }
0x59: {  	_ =	shalt  }
0x5a: {  	_ =	shalt  }
0x5b: {  	_ =	shalt  }
0x5c: {  	_ =	shalt  }
0x5d: {  	_ =	shalt  }
0x5e: {  	_ =	shalt  }
0x5f: {  	_ =	shalt  }
0x60: {  	_ =	shalt  }
0x61: {  	_ =	shalt  }
0x62: {  	_ =	shalt  }
0x63: {  	_ =	shalt  }
0x64: {  	_ =	shalt  }
0x65: {  	_ =	shalt  }
0x66: {  	_ =	shalt  }
0x67: {  	_ =	shalt  }
0x68: {  	_ =	shalt  }
0x69: {  	_ =	shalt  }
0x6a: {  	_ =	shalt  }
0x6b: {  	_ =	shalt  }
0x6c: {  	_ =	shalt  }
0x6d: {  	_ =	shalt  }
0x6e: {  	_ =	shalt  }
0x6f: {  	_ =	shalt  }
0x70: {  	_ =	shalt  }
0x71: {  	_ =	shalt  }
0x72: {  	_ =	shalt  }
0x73: {  	_ =	shalt  }
0x74: {  	_ =	shalt  }
0x75: {  	_ =	shalt  }
0x76: {  	_ =	shalt  }
0x77: {  	_ =	shalt  }
0x78: {  	_ =	shalt  }
0x79: {  	_ =	shalt  }
0x7a: {  	_ =	shalt  }
0x7b: {  	_ =	shalt  }
0x7c: {  	_ =	shalt  }
0x7d: {  	_ =	shalt  }
0x7e: {  	_ =	shalt  }
0x7f: {  	_ =	shalt  }
0x80: {  	_ =	shalt  }
0x81: {  	_ =	shalt  }
0x82: {  	_ =	shalt  }
0x83: {  	_ =	shalt  }
0x84: {  	_ =	shalt  }
0x85: {  	_ =	shalt  }
0x86: {  	_ =	shalt  }
0x87: {  	_ =	shalt  }
.Lfunc_end0:
.L_simem_size_0:
called_computation_lowered:
.L_overlay_start_0:
0x88: {  	s2 =	sld [smem:$0x3FD9]  }
0x89: {  	s3 =	sld [smem:$0x3FFE];
	_ =	sdelay $0x1  }
0x8a: {  	s1 =	srdreg.scid  }
0x8b: {  	s0 =	sand.u32 $0x1, s1  }
0x8c: {  	s17 =	sshll.u32 s0, $0xA;
	s2 =	sadd.s32 s3, s2  }
0x8d: {  	s2 =	sadd.s32 s2, s17  }
0x8e: {  	[smem:$0x3FC2] =	sst s2  }
0x8f: {  	_ = 	snop  }
0x90: {  	s2 =	sld [smem:$0x3FC9]  }
0x91: {  	s18 =	sld [smem:$0x3FD0];
	(tm) =	ssettm $0x1  }
0x92: {  	s4 =	sld [smem:$0x3FFB];
	_ =	sdelay $0x3  }
0x93: {  	_ =	strace s4  }
0x94: {  	s4 =	sld [smem:$0x3FFC];
	_ =	sdelay $0x3  }
0x95: {  	_ =	strace s4  }
0x96: {  	s4 =	sld [smem:$0x3FFD];
	_ =	sdelay $0x3  }
0x97: {  	_ =	strace s4  }
0x98: {  	_ =	strace $0x8FFFFFFF  }
0x99: {  	s19 =	sld [smem:$0x3FDB];
	_ =	sdelay $0x1  }
0x9a: {  	s5 =	simm.s32 $_scs_section_size  }
0x9b: {  	s6 =	simm.s32 $_size__tile_overlayer_lowered;
	s7 =	simm.s32 $_tile_overlayer_lowered  }
0x9c: {  	s22 =	simm.s32 $0x1BFF;
	s21 =	sshll.u32 s7, $0x1;
	s4 =	sadd.s32 s5, s19  }
0x9d: {  	s8 =	simm.s32 $0x0;
	s20 =	sshll.u32 s6, $0x1;
	s6 =	sadd.s32 s21, s4  }
0x9e: {  	[timem:s8], [sflag:s22] =	dma.local [hbm:s6], s20  }
0x9f: {  	_ =	swait.ge [sflag:s22], s20  }
0xa0: {  	s5 =	ssub.s32 $0x0, s20;
	[sflag:s22] =	ssyncset.done $0x0  }
0xa1: {  	[sflag:s22] =	ssyncadd.s32 s5;
	_ =	sdelay $0x1  }
0xa2: {  	s23 =	simm.s32 $0x1B8B  }
0xa3: {  	_ =	swait.ge [sflag:s23], $0x1  }
0xa4: {  	[sflag:s23] =	ssyncset.done $0x0  }
0xa5: {  	s25 =	simm.s32 $0x1B8E;
	s24 =	sld [smem:$0x3FFE];
	[sflag:s23] =	ssyncadd.s32 $0xFFFFFFFF  }
0xa6: {  	s26 =	simm.s32 $execute0_lowered;
	[smem:$0x3FD2] =	sst s25  }
0xa7: {  	s6 =	sshll.u32 s26, $0x1;
	_ =	strace $0x80000046;
	[dreg:$0x1] =	wrdreg $0xFFFFFFFF  }
0xa8: {  	s28 =	simm.s32 $_size_execute0_lowered;
	s4 =	sadd.s32 s4, s6;
	[dreg:$0x0] =	wrdreg $0x0  }
0xa9: {  	s6 =	sshll.u32 s28, $0x1;
	[dreg:$0x2] =	wrdreg s4  }
0xaa: {  	[dreg:$0x3] =	wrdreg s6  }
0xab: {  	[dreg:$0x4] =	wrdreg $0xC0  }
0xac: {  	_ =	task [dreg:s8], $0x5FFFF  }
0xad: {  	[dreg:$0x1] =	wrdreg $0xFFFFFFFF  }
0xae: {  	[dreg:$0x0] =	wrdreg $0x60  }
0xaf: {  	[dreg:$0x2] =	wrdreg s24  }
0xb0: {  	[dreg:$0x3] =	wrdreg s2  }
0xb1: {  	[dreg:$0x4] =	wrdreg s18  }
0xb2: {  	[dreg:$0x5] =	wrdreg $0x6C800  }
0xb3: {  	[dreg:$0x6] =	wrdreg $0x9  }
0xb4: {  	_ =	task.clear_ibuf [dreg:s8], $0x7FFFF;
	_ =	strace $0x90000046  }
0xb5: {  	s29 =	simm.s32 $0x9;
	_ =	strace $0x80000048  }
0xb6: {  	_ =	swait.ge [sflag:s29], $0x1  }
0xb7: {  	[sflag:s29] =	ssyncadd.s32 $0xFFFFFFFF  }
0xb8: {  	_ =	strace $0x90000048  }
0xb9: {  	_ =	sfence  }
0xba: {  	s30 =	sld [smem:$0x0];
	_ =	sdelay $0x2  }
0xbb: {  	s31 =	sshll.u32 s1, $0xD;
	s1 =	sshrl.u32 s1, $0x2  }
0xbc: {  	s3 =	sand.u32 $0x4000, s31;
	s1 =	sadd.s32 s1, s30  }
0xbd: {  	s0 =	sor.u32 s3, s0;
	s1 =	sshll.u32 s1, $0x11  }
0xbe: {  	s0 =	sor.u32 s1, s0  }
0xbf: {  	s0 =	sadd.s32 $0x8F2B, s0  }
0xc0: {  	[sflag:s0] =	ssyncadd.remote.s32 $0x1  }
0xc1: {  	_ =	sfence.sel $0xFFFF  }
0xc2: {  	[dreg:$0x0] =	wrdreg $0xFFFFFFFF;
	(pc) =	sbr.abs _section_cstart, $3  }
0xc3: {  	[dreg:$0x1] =	wrdreg $0xFFFFFFFF  }
0xc4: {  	_ =	task.clear_ibuf [dreg:s8], $0x2FFFF;
	_ =	strace $0x9FFFFFFF  }
0xc5: {  	(tm) =	ssettm $0x7FFFFFFF  }
tec
execute0_lowered:
.L_overlay_start_1:
0x0: {  	(tag) =	ssettag $0x1  }
0x1: {  	s4 =	rddreg [dreg:$0x0]  }
0x2: {  	s7 =	rddreg [dreg:$0x1]  }
0x3: {  	s1 =	srdreg.scid;
	s0 =	rddreg [dreg:$0x2]  }
0x4: {  	s12 =	stileid.u32;
	s2 =	rddreg [dreg:$0x3];
	s3 =	simm.s32 $0x0  }
0x5: {  	s17 =	simm.s32 $0x2C80;
	s18 =	simm.s32 $0x4C80;
	s19 =	simm.s32 $0x1  }
0x6: {  	s20 =	simm.s32 $0x0;
	s11 =	sand.u32 $0x1, s1;
	s6 =	smul.u32 $0xFFFFFF9E, s12  }
0x7: {  	s1 =	rddreg [dreg:$0x4];
	s8 =	sshll.u32 s12, $0x1;
	s15 =	smul.u32 $0x1880, s12  }
0x8: {  	[smem:$0x7FF] =	sst s3;
	s4 =	sadd.s32 $0xE00, s4;
	s5 =	smul.u32 $0xFFFFFFCF, s11  }
0x9: {  	p0 =	sne.s32 s12, $0x0;
	s28 =	sor.u32 s11, s8;
	_ =	strace $0x80000047  }
0xa: {  	s9 =	ssub.s32 $0x2, s11;
	s16 =	smul.u32 $0xC40, s11;
	s5 =	sadd.s32 s6, s5  }
0xb: {  	s8 =	smul.u32 $0x31, s28;
	s29 =	sshrl.u32 s9, $0x1;
	s5 =	sadd.s32 $0x61B, s5  }
0xc: {  	s10 =	smul.u32 $0xC40, s28;
	s14 =	ssub.s32 s9, s29;
	s5 =	smin.u32 s5, $0x31  }
0xd: {  	s12 =	sadd.s32 s16, s15;
	s15 =	simm.s32 $0x40;
	s5 =	sadd.s32 $0x2, s5  }
0xe: {  	s16 =	simm.s32 $0xC80;
	s30 =	ssub.s32 $0x61B, s8;
	s13 =	smulhi.u32 $0x55555556, s5  }
0xf: {  	s11 =	smax.u32 s14, $0x1;
	s14 =	simm.s32 $0x4;
	s5 =	smin.u32 s10, $0x17A60  }
0x10: {  	s31 =	sshrl.u32 s5, $0x3;
	s8 =	ssub.s32 s10, s5;
	s13 =	smul.u32 $0xC0, s13  }
0x11: {  	s6 =	smin.u32 s30, $0x31;
	s7 =	sadd.s32 s7, s31;
	s9 =	sadd.s32 $0x40, s8  }
0x12: {  	s10 =	sadd.s32 $0x80, s8;
	[dreg:$0x5] =	wrdreg s13;
	s13 =	sshrl.u32 @!p0 s2, $0x3  }
.LBB2_1:
0x13: {  	s21 =	simm.s32 @!p0 $0x1C01  }
0x14: {  	[spmem:s13], [sflag:s21] =	dma.local @!p0 [hbm:s4], $0x680  }
0x15: {  	[tilespmem:s3], [sflag:$0x4] =	stream.linear.gather [hbm4b:s7+s3], $0xC40, $0x38;
	[tilespmem:$0x6FC0] =	vst v63  }
0x16: {  	_ =	swait.ge [sflag:s14], $0xC40  }
0x17: {  	[sflag:s14] =	ssyncset.done $0x0  }
0x18: {  	s21 =	simm.s32 @!p0 $0x1;
	[sflag:s14] =	ssyncadd.s32 $0xFFFFF3C0  }
0x19: {  	_ =	swait.ge @!p0 [sflag:s21], $0x680  }
0x1a: {  	[sflag:s21] =	ssyncset.done @!p0 $0x0  }
0x1b: {  	[sflag:s21] =	ssyncadd.s32 @!p0 $0xFFFFF980  }
0x1c: {  	[bflag:$0x0] =	sbarrier.arrive $0xFFFF  }
0x1d: {  	[tilespmem:s16], [sflag:$0x1] =	stream.indirect.gather [spmem:s2], $0x80, s8, s15, $0xb8;
	[tilespmem:$0x6FC0] =	vst v63  }
0x1e: {  	_ = 	snop  }
0x1f: {  	[tilespmem:s17], [sflag:$0x2] =	stream.indirect.gather [spmem:s2], $0x80, s9, s15, $0xb8;
	[tilespmem:$0x6FC0] =	vst v63  }
0x20: {  	s22 =	simm.s32 $0x0;
	s21 =	simm.s32 $0x5  }
0x21: {  	[tilespmem:s18], [sflag:$0x3] =	stream.indirect.gather [spmem:s2], $0x80, s10, s15, $0xb8;
	[tilespmem:$0x6FC0] =	vst v63  }
.LBB2_2:
0x22: {  	s23 =	sadd.s32 s22, s12  }
0x23: {  	p1 =	slt.s32 s23, $0x18660  }
0x24: {  	_ =	swait.ge [sflag:s19], $0x2000;
	s23 =	simm.s32 @!p1 $0x18660  }
0x25: {  	s28 =	sadd.s32 $0xFFFFFFFE, s21;
	[sflag:s19] =	ssyncset.done $0x0;
	s23 =	sshll.u32 s23, $0x4  }
0x26: {  	[sflag:s19] =	ssyncadd.s32 $0xFFFFE000;
	p1 =	sge.u32 s28, s6;
	s23 =	sadd.s32 s0, s23  }
0x27: {  	[hbm4b:s23+s3] =	stream.linear.scatter [tilespmem:s16], [sflag:$0x4], $0x2000, $0x38;
	[tilespmem:$0x6FC0] =	vst v63  }
0x28: {  	s23 =	sadd.s32 @!p1 s22, s12  }
0x29: {  	s23 =	sadd.s32 @!p1 $0xC0, s23  }
0x2a: {  	p2 =	slt.s32 @!p1 s23, $0x18660  }
0x2b: {  	s29 =	sadd.s32 $0xFFFFFFFC, s21;
	_ =	swait.ge [sflag:s14], $0x2000;
	p2 =	por !p2, p1  }
0x2c: {  	s24 =	simm.s32 @!p1 $0x40;
	[sflag:s14] =	ssyncset.done $0x0;
	s23 =	simm.s32 @p2 $0x18660  }
0x2d: {  	s25 =	simm.s32 @!p1 $0xC80;
	[sflag:s14] =	ssyncadd.s32 $0xFFFFE000;
	s23 =	ssub.s32 @!p1 s23, s5  }
0x2e: {  	[tilespmem:s25], [sflag:$0x1] =	stream.indirect.gather @!p1 [spmem:s2], $0x80, s23, s24, $0xb8;
	[tilespmem:$0x6FC0] =	vst v63  }
0x2f: {  	p1 =	sge.u32 s29, s6  }
0x30: {  	s23 =	sadd.s32 @!p1 s22, s12  }
0x31: {  	s23 =	sadd.s32 @!p1 $0x40, s23  }
0x32: {  	s24 =	simm.s32 @!p1 $0x2;
	p2 =	slt.s32 @!p1 s23, $0x18660  }
0x33: {  	_ =	swait.ge @!p1 [sflag:s24], $0x2000;
	p2 =	por !p2, p1  }
0x34: {  	s30 =	sadd.s32 $0xFFFFFFFF, s21;
	[sflag:s24] =	ssyncset.done @!p1 $0x0;
	s23 =	simm.s32 @p2 $0x18660  }
0x35: {  	s25 =	simm.s32 @!p1 $0x2C80;
	[sflag:s24] =	ssyncadd.s32 @!p1 $0xFFFFE000;
	s23 =	sshll.u32 @!p1 s23, $0x4  }
0x36: {  	s24 =	simm.s32 @!p1 $0x0;
	p2 =	sge.u32 s30, s6;
	s23 =	sadd.s32 @!p1 s0, s23  }
0x37: {  	[hbm4b:s23+s24] =	stream.linear.scatter @!p1 [tilespmem:s25], [sflag:$0x4], $0x2000, $0x38;
	[tilespmem:$0x6FC0] =	vst v63  }
0x38: {  	s23 =	sadd.s32 @!p2 s22, s12  }
0x39: {  	s24 =	simm.s32 @!p1 $0x4;
	s23 =	sadd.s32 @!p2 $0x100, s23  }
0x3a: {  	_ =	swait.ge @!p1 [sflag:s24], $0x2000;
	p3 =	slt.s32 @!p2 s23, $0x18660  }
0x3b: {  	s31 =	sadd.s32 $0xFFFFFFFD, s21;
	[sflag:s24] =	ssyncset.done @!p1 $0x0;
	p3 =	por !p3, p2  }
0x3c: {  	s25 =	simm.s32 @!p2 $0x2C80;
	[sflag:s24] =	ssyncadd.s32 @!p1 $0xFFFFE000;
	s23 =	simm.s32 @p3 $0x18660  }
0x3d: {  	s24 =	simm.s32 @!p2 $0x40;
	p1 =	sge.u32 s31, s6;
	s23 =	ssub.s32 @!p2 s23, s5  }
0x3e: {  	[tilespmem:s25], [sflag:$0x2] =	stream.indirect.gather @!p2 [spmem:s2], $0x80, s23, s24, $0xb8;
	[tilespmem:$0x6FC0] =	vst v63  }
0x3f: {  	s23 =	sadd.s32 @!p1 s22, s12  }
0x40: {  	s23 =	sadd.s32 @!p1 $0x80, s23  }
0x41: {  	p2 =	slt.s32 @!p1 s23, $0x18660  }
0x42: {  	s24 =	simm.s32 @!p1 $0x3;
	p2 =	por !p2, p1  }
0x43: {  	_ =	swait.ge @!p1 [sflag:s24], $0x2000;
	s23 =	simm.s32 @p2 $0x18660  }
0x44: {  	s25 =	simm.s32 @!p1 $0x4C80;
	[sflag:s24] =	ssyncset.done @!p1 $0x0;
	s23 =	sshll.u32 @!p1 s23, $0x4  }
0x45: {  	[sflag:s24] =	ssyncadd.s32 @!p1 $0xFFFFE000;
	s24 =	simm.s32 @!p1 $0x0;
	s23 =	sadd.s32 @!p1 s0, s23  }
0x46: {  	[hbm4b:s23+s24] =	stream.linear.scatter @!p1 [tilespmem:s25], [sflag:$0x4], $0x2000, $0x38;
	[tilespmem:$0x6FC0] =	vst v63  }
0x47: {  	p2 =	sge.u32 s21, s6;
	s24 =	simm.s32 @!p1 $0x4  }
0x48: {  	s23 =	sadd.s32 @!p2 s22, s12;
	_ =	swait.ge @!p1 [sflag:s24], $0x2000  }
0x49: {  	s22 =	sadd.s32 $0xC0, s22;
	[sflag:s24] =	ssyncset.done @!p1 $0x0;
	s26 =	rddreg [dreg:$0x5]  }
0x4a: {  	s23 =	sadd.s32 @!p2 $0x140, s23;
	[sflag:s24] =	ssyncadd.s32 @!p1 $0xFFFFE000;
	p1 =	sne.s32 s26, s22  }
.Ltmp0:
0x4b: {  	p3 =	slt.s32 @!p2 s23, $0x18660;
	(pc) =	sbr.rel @p1 .LBB2_2-.Ltmp0, $4  }
0x4c: {  	p3 =	por !p3, p2  }
0x4d: {  	s21 =	sadd.s32 $0x3, s21;
	s23 =	simm.s32 @p3 $0x18660  }
0x4e: {  	s25 =	simm.s32 @!p2 $0x4C80;
	s24 =	simm.s32 @!p2 $0x40;
	s23 =	ssub.s32 @!p2 s23, s5  }
0x4f: {  	[tilespmem:s25], [sflag:$0x3] =	stream.indirect.gather @!p2 [spmem:s2], $0x80, s23, s24, $0xb8;
	[tilespmem:$0x6FC0] =	vst v63  }
0x50: {  	s20 =	sadd.s32 $0x1, s20  }
0x51: {  	p1 =	sne.s32 s20, s11  }
.Ltmp1:
0x52: {  	_ = 	snop;
	(pc) =	sbr.rel @p1 .LBB2_1-.Ltmp1, $1  }
0x53: {  	_ =	sdelay $0x3  }
0x54: {  	_ =	sfence.sel $0x180000  }
0x55: {  	[bflag:$0x0] =	sbarrier.arrive $0xFFFF  }
0x56: {  	_ =	strace $0x90000047  }
0x57: {  	s0 =	sadd.s32 @!p0 $0x100000, s1;
	[bflag:$0x2] =	sbarrier.arrive $0xFFFF  }
0x58: {  	[sflag:s0] =	ssyncadd.tile.s32 @!p0 $0x1;
	_ =	shalt  }
.Lfunc_end2:
_tile_overlayer_lowered:
.L_overlay_start_2:
0x59: {  	(tag) =	ssettag $0x2  }
0x5a: {  	s0 =	rddreg [dreg:$0x0];
	s2 =	stileid.u32  }
0x5b: {  	s1 =	rddreg [dreg:$0x1];
	p0 =	sne.s32 s2, $0x0  }
0x5c: {  	s3 =	rddreg [dreg:$0x2];
	[bflag:$0x3] =	sbarrier.arrive $0xFFFF;
	s2 =	simm.s32 @!p0 $0x1C04  }
0x5d: {  	[timem:s3], [sflag:s2] =	dma.local @!p0 [hbm:s0], s1  }
0x5e: {  	s0 =	simm.s32 @!p0 $0x4  }
0x5f: {  	_ =	swait.ge @!p0 [sflag:s0], s1  }
0x60: {  	s1 =	ssub.s32 @!p0 $0x0, s1;
	[sflag:s0] =	ssyncset.done @!p0 $0x0  }
0x61: {  	[sflag:s0] =	ssyncadd.s32 @!p0 s1  }
0x62: {  	[bflag:$0x3] =	sbarrier.arrive $0xFFFF  }
0x63: {  	_ =	shalt  }

</sc_bundles>
